<compile_context>
chip_gen: v7x
topology: tpu7x:2x2x1
jax: 0.10.2.dev20260603
libtpu: 0.0.44.dev20260713+nightly
codegen_flags: <defaults>
</compile_context>

<pallas_src>
import functools

import jax
import jax.numpy as jnp
from jax import lax
from jax.experimental import pallas as pl
from jax.experimental.pallas import tpu as pltpu
from jax.experimental.pallas import tpu_sc as plsc

_INFO = plsc.get_sparse_core_info()
_NC = _INFO.num_cores
_NS = _INFO.num_subcores
_NW = _NC * _NS

_N = 1000000
_B = 16384
_D = 64
_CCOLS = 512
_NCHUNK = 1954
_TAIL_C = _NCHUNK - 1
_TAIL_LO = _N - 128
_JMAX = 62
_CAP = 2048
_DUMP = _B


def _k(c):
    return jnp.int32(c)


@functools.lru_cache(maxsize=None)
def _build():
    mesh = plsc.VectorSubcoreMesh(core_axis_name="c", subcore_axis_name="s")

    @functools.partial(
        pl.kernel,
        mesh=mesh,
        out_type=jax.ShapeDtypeStruct((_B + 16, 128), jnp.float32),
        scratch_types=[
            pltpu.VMEM((_B,), jnp.int32),
            pltpu.VMEM((_B + 64,), jnp.int32),
            pltpu.VMEM((_B + 64,), jnp.int32),
            pltpu.VMEM((_CAP + 16,), jnp.int32),
            pltpu.VMEM((_CAP + 16,), jnp.int32),
            pltpu.VMEM((_D, _CCOLS), jnp.float32),
            pltpu.VMEM((_D, _CCOLS), jnp.float32),
            pltpu.VMEM((32, 128), jnp.float32),
            pltpu.VMEM((3, 16), jnp.int32),
            pltpu.SMEM((8,), jnp.int32),
            pltpu.SemaphoreType.DMA,
            pltpu.SemaphoreType.DMA,
            pltpu.SemaphoreType.DMA,
            pltpu.SemaphoreType.DMA,
        ],
        compiler_params=pltpu.CompilerParams(needs_layout_passes=False),
    )
    def body(idx_hbm, table_hbm, tail_hbm, out_hbm, idx_v, mval_v, mpos_v,
             cval_v, cpos_v, chunk_a, chunk_b, stage_v, spos_v, state_s,
             sem_ca, sem_cb, sem_sa, sem_sb):
        wid = lax.axis_index("s") * _NC + lax.axis_index("c")
        lane = lax.iota(jnp.int32, 16)
        dump16 = _DUMP + lane

        pltpu.sync_copy(idx_hbm, idx_v)

        def scan_body(q, m):
            v = idx_v[pl.ds(q * 16, 16)]
            mask = ((v >> 9) & (_NW - 1)) == wid
            bpos = q * 16 + lane
            plsc.store_compressed(mval_v.at[pl.ds(m, 16)], v, mask=mask)
            plsc.store_compressed(mpos_v.at[pl.ds(m, 16)], bpos, mask=mask)
            return m + jnp.sum(mask.astype(jnp.int32))

        m = lax.fori_loop(0, _B // 16, scan_body, jnp.int32(0))
        n_groups = (m + 15) >> 4

        def fire(c, buf, sem):
            @pl.when(c <= _TAIL_C - 1)
            def _():
                pltpu.async_copy(
                    table_hbm.at[:, pl.ds(c * _CCOLS, _CCOLS)], buf, sem)

            @pl.when(c == _TAIL_C)
            def _():
                pltpu.async_copy(tail_hbm, buf.at[:, pl.ds(0, 128)], sem)

        def wait(c, buf, sem):
            @pl.when(c <= _TAIL_C - 1)
            def _():
                pltpu.make_async_copy(
                    table_hbm.at[:, pl.ds(c * _CCOLS, _CCOLS)], buf, sem
                ).wait()

            @pl.when(c == _TAIL_C)
            def _():
                pltpu.make_async_copy(
                    tail_hbm, buf.at[:, pl.ds(0, 128)], sem).wait()

        def drain_a():
            pltpu.make_async_copy(
                out_hbm.at[pl.ds(0, 16)], stage_v.at[pl.ds(0, 16)], sem_sa
            ).wait()

        def drain_b():
            pltpu.make_async_copy(
                out_hbm.at[pl.ds(0, 16)], stage_v.at[pl.ds(16, 16)], sem_sb
            ).wait()

        def extract_one(t, _, buf):
            slot = state_s[0]
            fa = state_s[1]
            fb = state_s[2]
            v16 = cval_v[pl.ds(t, 16)]
            p16 = cpos_v[pl.ds(t, 16)]
            xs = jnp.full((16,), v16[0], jnp.int32)
            ps = p16[0]
            sl = slot & 15
            half = slot >> 4

            drained_a = (sl == 0) & (half == 0) & (fa > 0)
            drained_b = (sl == 0) & (half == 1) & (fb > 0)

            @pl.when(drained_a)
            def _():
                drain_a()
                state_s[1] = jnp.int32(0)

            @pl.when(drained_b)
            def _():
                drain_b()
                state_s[2] = jnp.int32(0)

            slotv = jnp.full((16,), slot & 31, jnp.int32)
            for gg in range(4):
                vals = plsc.load_gather(buf, [gg * 16 + lane, xs])
                plsc.store_scatter(stage_v, [slotv, gg * 16 + lane], vals)

            acc = spos_v[2, :]
            acc = jnp.where(lane == sl, ps, acc)
            flush = sl == 15
            spos_v[2, :] = jnp.where(flush, dump16, acc)

            @pl.when(flush & (half == 0))
            def _():
                spos_v[0, :] = acc
                pltpu.async_copy(
                    stage_v.at[pl.ds(0, 16)], out_hbm.at[spos_v.at[0]], sem_sa)
                state_s[1] = jnp.int32(1)

            @pl.when(flush & (half == 1))
            def _():
                spos_v[1, :] = acc
                pltpu.async_copy(
                    stage_v.at[pl.ds(16, 16)], out_hbm.at[spos_v.at[1]], sem_sb)
                state_s[2] = jnp.int32(1)

            state_s[0] = (slot + 1) & 31
            return 0

        def process(c, buf):
            xbase = jnp.where(c == _TAIL_C, _k(_TAIL_LO), c * _CCOLS)
            active = c <= _TAIL_C

            def pass_body(carry):
                done, _, _ = carry

                def rescan(q, rc):
                    r, mc = rc
                    v16 = mval_v[pl.ds(q * 16, 16)]
                    p16 = mpos_v[pl.ds(q * 16, 16)]
                    member = ((v16 >> 9) == c) & (q * 16 + lane < m)
                    mi = member.astype(jnp.int32)
                    order = r + plsc.cumsum(mi) - 1
                    take = member & (order >= done) & (order < done + _CAP)
                    plsc.store_compressed(
                        cval_v.at[pl.ds(mc, 16)], v16 - xbase, mask=take)
                    plsc.store_compressed(
                        cpos_v.at[pl.ds(mc, 16)], p16, mask=take)
                    return (r + jnp.sum(mi), mc + jnp.sum(take.astype(jnp.int32)))

                ng = jnp.where(active, n_groups + 2, jnp.int32(0))
                _, mc = lax.fori_loop(0, ng, rescan, (jnp.int32(0), jnp.int32(0)))
                lax.fori_loop(0, mc, lambda t, s: extract_one(t, s, buf), 0)
                return (done + mc, mc, jnp.int32(0))

            def pass_cond(carry):
                _, mc_last, first = carry
                return (first > 0) | (mc_last == _CAP)

            lax.while_loop(pass_cond, pass_body,
                           (jnp.int32(0), jnp.int32(0), jnp.int32(1)))

        state_s[0] = jnp.int32(0)
        state_s[1] = jnp.int32(0)
        state_s[2] = jnp.int32(0)
        spos_v[2, :] = dump16
        fire(wid, chunk_a, sem_ca)

        def chunk_pair(u, _):
            c_even = wid + u * 2 * _NW
            c_odd = c_even + _NW
            fire(c_odd, chunk_b, sem_cb)
            wait(c_even, chunk_a, sem_ca)
            process(c_even, chunk_a)
            fire(c_even + 2 * _NW, chunk_a, sem_ca)
            wait(c_odd, chunk_b, sem_cb)
            process(c_odd, chunk_b)
            return 0

        lax.fori_loop(0, _JMAX // 2, chunk_pair, 0)

        slot = state_s[0]
        half = slot >> 4

        @pl.when(state_s[1] > 0)
        def _():
            drain_a()

        @pl.when(state_s[2] > 0)
        def _():
            drain_b()

        acc = spos_v[2, :]

        @pl.when(half == 0)
        def _():
            spos_v[0, :] = acc
            pltpu.async_copy(
                stage_v.at[pl.ds(0, 16)], out_hbm.at[spos_v.at[0]], sem_sa
            ).wait()

        @pl.when(half == 1)
        def _():
            spos_v[1, :] = acc
            pltpu.async_copy(
                stage_v.at[pl.ds(16, 16)], out_hbm.at[spos_v.at[1]], sem_sb
            ).wait()

    return body


def kernel(g, h, r, norm, W):
    idx = jnp.squeeze(h).astype(jnp.int32)
    table = W.T
    tail = W[_TAIL_LO:, :].T
    out = _build()(idx, table, tail)
    return out[:_B, :_D]

# --- scband reference (transcript-rebuilt; emitter-appended) ---
"""Pipeline reference for scband-embedding-layer-28887950033576 (READ-ONLY COPY).

The authoritative reference and input builder live on the scoring server;
editing this copy changes nothing except your own understanding.
"""

import jax, jax.numpy as jnp
import numpy as np

NUM_NODES = 1000000
H_DIM = 64
BATCH = 16384

def setup_inputs(seed: int = 0) -> dict:
    key = jax.random.key(seed)
    k_h, k_r, k_norm, k_W = jax.random.split(key, 4)
    g = jnp.zeros((1,), dtype=jnp.float32)
    h = jax.random.randint(k_h, (BATCH,), 0, NUM_NODES, dtype=jnp.int64) if jax.config.jax_enable_x64 else jax.random.randint(k_h, (BATCH,), 0, NUM_NODES, dtype=jnp.int32)
    r = jax.random.randint(k_r, (BATCH,), 0, 16, dtype=jnp.int32)
    norm = jax.random.uniform(k_norm, (BATCH, 1), dtype=jnp.float32)
    W = jax.random.normal(k_W, (NUM_NODES, H_DIM), dtype=jnp.float32)
    return {"g": g, "h": h, "r": r, "norm": norm, "W": W}

def reference(g, h, r, norm, W):
    # forward: self.embedding(h.squeeze())
    idx = jnp.squeeze(h)
    return jnp.take(W, idx, axis=0)

if __name__ == "__main__":
    import jax
    _d = setup_inputs()
    print(jax.jit(kernel)(*tuple(_d.values())))

</pallas_src>

<mosaic_0001>
#map = affine_map<(d0, d1) -> (0)>
#map1 = affine_map<(d0, d1) -> (0, 0)>
module attributes {stable_mosaic.version = 14 : i64} {
  func.func @body(%arg0: i32, %arg1: i32, %arg2: memref<16384xi32, #tpu.memory_space<hbm>>, %arg3: memref<64x1000000xf32, #tpu.memory_space<hbm>>, %arg4: memref<64x128xf32, #tpu.memory_space<hbm>>, %arg5: memref<16400x128xf32, #tpu.memory_space<hbm>>, %arg6: memref<16384xi32, #tpu.memory_space<vmem>>, %arg7: memref<16448xi32, #tpu.memory_space<vmem>>, %arg8: memref<16448xi32, #tpu.memory_space<vmem>>, %arg9: memref<2064xi32, #tpu.memory_space<vmem>>, %arg10: memref<2064xi32, #tpu.memory_space<vmem>>, %arg11: memref<64x512xf32, #tpu.memory_space<vmem>>, %arg12: memref<64x512xf32, #tpu.memory_space<vmem>>, %arg13: memref<32x128xf32, #tpu.memory_space<vmem>>, %arg14: memref<3x16xi32, #tpu.memory_space<vmem>>, %arg15: memref<8xi32, #tpu.memory_space<smem>>, %arg16: memref<!tpu.dma_semaphore, #tpu.memory_space<semaphore_mem>>, %arg17: memref<!tpu.dma_semaphore, #tpu.memory_space<semaphore_mem>>, %arg18: memref<!tpu.dma_semaphore, #tpu.memory_space<semaphore_mem>>, %arg19: memref<!tpu.dma_semaphore, #tpu.memory_space<semaphore_mem>>) attributes {dimension_semantics = [#tpu.dimension_semantics<core_parallel>, #tpu.dimension_semantics<subcore_parallel>], iteration_bounds = array<i64: 2, 16>, scalar_prefetch = 0 : i64, scratch_operands = 14 : i64, tpu.core_type = #tpu.core_type<sc_vector_subcore>, window_params = [{transform_indices = #map}, {transform_indices = #map1}, {transform_indices = #map1}, {transform_indices = #map1}]} {
    %mul3A = arith.constant 2 : i32
    %mul3A_0 = arith.muli %arg1, %mul3A : i32
    %add3A = arith.addi %mul3A_0, %arg0 : i32
    %iota3A = tpu.iota {dimensions = array<i32: 0>} : vector<16xi32>
    %add3A_1 = arith.constant 16384 : i32
    %add3A_2 = vector.broadcast %add3A_1 : i32 to vector<16xi32>
    %add3A_3 = arith.addi %add3A_2, %iota3A : vector<16xi32>
    "tpu.region"() ({
      %run_scoped3A = tpu.sem_alloc : memref<!tpu.dma_semaphore, #tpu.memory_space<semaphore_mem>>
      tpu.enqueue_dma source(%arg2 : memref<16384xi32, #tpu.memory_space<hbm>>) target(%arg6 : memref<16384xi32, #tpu.memory_space<vmem>>) target_semaphore(%run_scoped3A : memref<!tpu.dma_semaphore, #tpu.memory_space<semaphore_mem>>)
      tpu.wait_dma2 semaphore(%run_scoped3A : memref<!tpu.dma_semaphore, #tpu.memory_space<semaphore_mem>>) src(%arg2 : memref<16384xi32, #tpu.memory_space<hbm>>) dst(%arg6 : memref<16384xi32, #tpu.memory_space<vmem>>)
      tpu.yield
    }) : () -> ()
    %scan3A = arith.constant 0 : i32
    %scan3A_4 = arith.constant 0 : i32
    %scan3A_5 = arith.constant 1024 : i32
    %scan3A_6 = arith.addi %scan3A_4, %scan3A_5 : i32
    %scan3A_7 = arith.constant 1 : i32
    %scan3A_8 = scf.for %scan3A_74 = %scan3A_4 to %scan3A_6 step %scan3A_7 iter_args(%scan3A_75 = %scan3A) -> (i32)  : i32 {
      %mul3A_76 = arith.constant 16 : i32
      %mul3A_77 = arith.muli %scan3A_74, %mul3A_76 : i32
      %get3A_78 = arith.index_cast %mul3A_77 : i32 to index
      %get3A_79 = tpu.vector_load %arg6[%get3A_78] {strides = array<i32>} : memref<16384xi32, #tpu.memory_space<vmem>>, vector<16xi32>,
      %shift_right_arithmetic3A_80 = arith.constant 9 : i32
      %shift_right_arithmetic3A_81 = vector.broadcast %shift_right_arithmetic3A_80 : i32 to vector<16xi32>
      %shift_right_arithmetic3A_82 = arith.shrsi %get3A_79, %shift_right_arithmetic3A_81 : vector<16xi32>
      %and3A = arith.constant 31 : i32
      %and3A_83 = vector.broadcast %and3A : i32 to vector<16xi32>
      %and3A_84 = arith.andi %shift_right_arithmetic3A_82, %and3A_83 : vector<16xi32>
      %eq3A_85 = vector.broadcast %add3A : i32 to vector<16xi32>
      %eq3A_86 = arith.cmpi eq, %and3A_84, %eq3A_85 : vector<16xi32>
      %mul3A_87 = arith.constant 16 : i32
      %mul3A_88 = arith.muli %scan3A_74, %mul3A_87 : i32
      %add3A_89 = vector.broadcast %mul3A_88 : i32 to vector<16xi32>
      %add3A_90 = arith.addi %add3A_89, %iota3A : vector<16xi32>
      %swap3A_91 = arith.index_cast %scan3A_75 : i32 to index
      %swap3A_92 = tpu.vector_load %arg7[%swap3A_91] masked %eq3A_86 {strides = array<i32>} : memref<16448xi32, #tpu.memory_space<vmem>>, vector<16xi32>, vector<16xi1>
      tpu.vector_store %arg7[%swap3A_91], %get3A_79 masked %eq3A_86 {strides = array<i32>} : memref<16448xi32, #tpu.memory_space<vmem>>, vector<16xi32>, vector<16xi1>
      %swap3A_93 = arith.index_cast %scan3A_75 : i32 to index
      %swap3A_94 = tpu.vector_load %arg8[%swap3A_93] masked %eq3A_86 {strides = array<i32>} : memref<16448xi32, #tpu.memory_space<vmem>>, vector<16xi32>, vector<16xi1>
      tpu.vector_store %arg8[%swap3A_93], %add3A_90 masked %eq3A_86 {strides = array<i32>} : memref<16448xi32, #tpu.memory_space<vmem>>, vector<16xi32>, vector<16xi1>
      %convert_element_type3A_95 = arith.extui %eq3A_86 : vector<16xi1> to vector<16xi32>
      %reduce_sum3A = arith.constant true
      %reduce_sum3A_96 = vector.broadcast %reduce_sum3A : i1 to vector<16xi1>
      %reduce_sum3A_97 = tpu.scan <sum>, %convert_element_type3A_95 masked %reduce_sum3A_96 : vector<16xi32>, vector<16xi1> -> vector<16xi32>
      %reduce_sum3A_98 = vector.extract %reduce_sum3A_97[15] : i32 from vector<16xi32>
      %add3A_99 = arith.addi %scan3A_75, %reduce_sum3A_98 : i32
      scf.yield %add3A_99 : i32
    }
    %scan3A_9 = arith.constant 1024 : i32
    %add3A_10 = arith.constant 15 : i32
    %add3A_11 = arith.addi %scan3A_8, %add3A_10 : i32
    %shift_right_arithmetic3A = arith.constant 4 : i32
    %shift_right_arithmetic3A_12 = arith.shrsi %add3A_11, %shift_right_arithmetic3A : i32
    %swap3A = arith.constant 0 : i32
    %swap3A_13 = arith.constant 0 : i32
    %swap3A_14 = arith.index_cast %swap3A_13 : i32 to index
    %swap3A_15 = memref.load %arg15[%swap3A_14] : memref<8xi32, #tpu.memory_space<smem>>
    memref.store %swap3A, %arg15[%swap3A_14] : memref<8xi32, #tpu.memory_space<smem>>
    %swap3A_16 = arith.constant 0 : i32
    %swap3A_17 = arith.constant 1 : i32
    %swap3A_18 = arith.index_cast %swap3A_17 : i32 to index
    %swap3A_19 = memref.load %arg15[%swap3A_18] : memref<8xi32, #tpu.memory_space<smem>>
    memref.store %swap3A_16, %arg15[%swap3A_18] : memref<8xi32, #tpu.memory_space<smem>>
    %swap3A_20 = arith.constant 0 : i32
    %swap3A_21 = arith.constant 2 : i32
    %swap3A_22 = arith.index_cast %swap3A_21 : i32 to index
    %swap3A_23 = memref.load %arg15[%swap3A_22] : memref<8xi32, #tpu.memory_space<smem>>
    memref.store %swap3A_20, %arg15[%swap3A_22] : memref<8xi32, #tpu.memory_space<smem>>
    %swap3A_24 = arith.constant 2 : i32
    %swap3A_25 = arith.index_cast %swap3A_24 : i32 to index
    %swap3A_26 = arith.constant 0 : index
    %swap3A_27 = tpu.vector_load %arg14[%swap3A_25, %swap3A_26] {strides = array<i32>} : memref<3x16xi32, #tpu.memory_space<vmem>>, vector<16xi32>,
    tpu.vector_store %arg14[%swap3A_25, %swap3A_26], %add3A_3 {strides = array<i32>} : memref<3x16xi32, #tpu.memory_space<vmem>>, vector<16xi32>,
    %le3A = arith.constant 1952 : i32
    %le3A_28 = arith.cmpi sle, %add3A, %le3A : i32
    %convert_element_type3A = arith.extui %le3A_28 : i1 to i32
    %cond3A = arith.constant 0 : i32
    %cond3A_29 = arith.cmpi ne, %convert_element_type3A, %cond3A : i32
    scf.if %cond3A_29 {
      %mul3A_74 = arith.constant 512 : i32
      %mul3A_75 = arith.muli %add3A, %mul3A_74 : i32
      %dma_start3A = arith.constant 0 : i32
      %dma_start3A_76 = tpu.memref_slice %arg3[%dma_start3A, %mul3A_75] : memref<64x1000000xf32, #tpu.memory_space<hbm>> -> memref<64x512xf32, #tpu.memory_space<hbm>>
      %dma_start3A_77 = arith.constant 0 : i32
      %dma_start3A_78 = tpu.memref_slice %arg3[%dma_start3A_77, %mul3A_75] : memref<64x1000000xf32, #tpu.memory_space<hbm>> -> memref<64x512xf32, #tpu.memory_space<hbm>>
      tpu.enqueue_dma source(%dma_start3A_78 : memref<64x512xf32, #tpu.memory_space<hbm>>) target(%arg11 : memref<64x512xf32, #tpu.memory_space<vmem>>) target_semaphore(%arg16 : memref<!tpu.dma_semaphore, #tpu.memory_space<semaphore_mem>>)
    } else {
    }
    %eq3A = arith.constant 1953 : i32
    %eq3A_30 = arith.cmpi eq, %add3A, %eq3A : i32
    %convert_element_type3A_31 = arith.extui %eq3A_30 : i1 to i32
    %cond3A_32 = arith.constant 0 : i32
    %cond3A_33 = arith.cmpi ne, %convert_element_type3A_31, %cond3A_32 : i32
    scf.if %cond3A_33 {
      %dma_start3A = arith.constant 0 : i32
      %dma_start3A_74 = arith.constant 0 : i32
      %dma_start3A_75 = tpu.memref_slice %arg11[%dma_start3A, %dma_start3A_74] : memref<64x512xf32, #tpu.memory_space<vmem>> -> memref<64x128xf32, #tpu.memory_space<vmem>>
      %dma_start3A_76 = arith.constant 0 : i32
      %dma_start3A_77 = arith.constant 0 : i32
      %dma_start3A_78 = tpu.memref_slice %arg11[%dma_start3A_76, %dma_start3A_77] : memref<64x512xf32, #tpu.memory_space<vmem>> -> memref<64x128xf32, #tpu.memory_space<vmem>>
      tpu.enqueue_dma source(%arg4 : memref<64x128xf32, #tpu.memory_space<hbm>>) target(%dma_start3A_78 : memref<64x128xf32, #tpu.memory_space<vmem>>) target_semaphore(%arg16 : memref<!tpu.dma_semaphore, #tpu.memory_space<semaphore_mem>>)
    } else {
    }
    %scan3A_34 = arith.constant 0 : i32
    %scan3A_35 = arith.constant 0 : i32
    %scan3A_36 = arith.constant 31 : i32
    %scan3A_37 = arith.addi %scan3A_35, %scan3A_36 : i32
    %scan3A_38 = arith.constant 1 : i32
    %scan3A_39 = scf.for %scan3A_74 = %scan3A_35 to %scan3A_37 step %scan3A_38 iter_args(%scan3A_75 = %scan3A_34) -> (i32)  : i32 {
      %mul3A_76 = arith.constant 2 : i32
      %mul3A_77 = arith.muli %scan3A_74, %mul3A_76 : i32
      %mul3A_78 = arith.constant 32 : i32
      %mul3A_79 = arith.muli %mul3A_77, %mul3A_78 : i32
      %add3A_80 = arith.addi %add3A, %mul3A_79 : i32
      %add3A_81 = arith.constant 32 : i32
      %add3A_82 = arith.addi %add3A_80, %add3A_81 : i32
      %le3A_83 = arith.constant 1952 : i32
      %le3A_84 = arith.cmpi sle, %add3A_82, %le3A_83 : i32
      %convert_element_type3A_85 = arith.extui %le3A_84 : i1 to i32
      %cond3A_86 = arith.constant 0 : i32
      %cond3A_87 = arith.cmpi ne, %convert_element_type3A_85, %cond3A_86 : i32
      scf.if %cond3A_87 {
        %mul3A_147 = arith.constant 512 : i32
        %mul3A_148 = arith.muli %add3A_82, %mul3A_147 : i32
        %dma_start3A = arith.constant 0 : i32
        %dma_start3A_149 = tpu.memref_slice %arg3[%dma_start3A, %mul3A_148] : memref<64x1000000xf32, #tpu.memory_space<hbm>> -> memref<64x512xf32, #tpu.memory_space<hbm>>
        %dma_start3A_150 = arith.constant 0 : i32
        %dma_start3A_151 = tpu.memref_slice %arg3[%dma_start3A_150, %mul3A_148] : memref<64x1000000xf32, #tpu.memory_space<hbm>> -> memref<64x512xf32, #tpu.memory_space<hbm>>
        tpu.enqueue_dma source(%dma_start3A_151 : memref<64x512xf32, #tpu.memory_space<hbm>>) target(%arg12 : memref<64x512xf32, #tpu.memory_space<vmem>>) target_semaphore(%arg17 : memref<!tpu.dma_semaphore, #tpu.memory_space<semaphore_mem>>)
      } else {
      }
      %eq3A_88 = arith.constant 1953 : i32
      %eq3A_89 = arith.cmpi eq, %add3A_82, %eq3A_88 : i32
      %convert_element_type3A_90 = arith.extui %eq3A_89 : i1 to i32
      %cond3A_91 = arith.constant 0 : i32
      %cond3A_92 = arith.cmpi ne, %convert_element_type3A_90, %cond3A_91 : i32
      scf.if %cond3A_92 {
        %dma_start3A = arith.constant 0 : i32
        %dma_start3A_147 = arith.constant 0 : i32
        %dma_start3A_148 = tpu.memref_slice %arg12[%dma_start3A, %dma_start3A_147] : memref<64x512xf32, #tpu.memory_space<vmem>> -> memref<64x128xf32, #tpu.memory_space<vmem>>
        %dma_start3A_149 = arith.constant 0 : i32
        %dma_start3A_150 = arith.constant 0 : i32
        %dma_start3A_151 = tpu.memref_slice %arg12[%dma_start3A_149, %dma_start3A_150] : memref<64x512xf32, #tpu.memory_space<vmem>> -> memref<64x128xf32, #tpu.memory_space<vmem>>
        tpu.enqueue_dma source(%arg4 : memref<64x128xf32, #tpu.memory_space<hbm>>) target(%dma_start3A_151 : memref<64x128xf32, #tpu.memory_space<vmem>>) target_semaphore(%arg17 : memref<!tpu.dma_semaphore, #tpu.memory_space<semaphore_mem>>)
      } else {
      }
      %le3A_93 = arith.constant 1952 : i32
      %le3A_94 = arith.cmpi sle, %add3A_80, %le3A_93 : i32
      %convert_element_type3A_95 = arith.extui %le3A_94 : i1 to i32
      %cond3A_96 = arith.constant 0 : i32
      %cond3A_97 = arith.cmpi ne, %convert_element_type3A_95, %cond3A_96 : i32
      scf.if %cond3A_97 {
        %mul3A_147 = arith.constant 512 : i32
        %mul3A_148 = arith.muli %add3A_80, %mul3A_147 : i32
        %dma_wait3A = arith.constant 0 : i32
        %dma_wait3A_149 = tpu.memref_slice %arg3[%dma_wait3A, %mul3A_148] : memref<64x1000000xf32, #tpu.memory_space<hbm>> -> memref<64x512xf32, #tpu.memory_space<hbm>>
        %dma_wait3A_150 = arith.constant 0 : i32
        %dma_wait3A_151 = tpu.memref_slice %arg3[%dma_wait3A_150, %mul3A_148] : memref<64x1000000xf32, #tpu.memory_space<hbm>> -> memref<64x512xf32, #tpu.memory_space<hbm>>
        tpu.wait_dma2 semaphore(%arg16 : memref<!tpu.dma_semaphore, #tpu.memory_space<semaphore_mem>>) src(%dma_wait3A_151 : memref<64x512xf32, #tpu.memory_space<hbm>>) dst(%arg11 : memref<64x512xf32, #tpu.memory_space<vmem>>)
      } else {
      }
      %eq3A_98 = arith.constant 1953 : i32
      %eq3A_99 = arith.cmpi eq, %add3A_80, %eq3A_98 : i32
      %convert_element_type3A_100 = arith.extui %eq3A_99 : i1 to i32
      %cond3A_101 = arith.constant 0 : i32
      %cond3A_102 = arith.cmpi ne, %convert_element_type3A_100, %cond3A_101 : i32
      scf.if %cond3A_102 {
        %dma_wait3A = arith.constant 0 : i32
        %dma_wait3A_147 = arith.constant 0 : i32
        %dma_wait3A_148 = tpu.memref_slice %arg11[%dma_wait3A, %dma_wait3A_147] : memref<64x512xf32, #tpu.memory_space<vmem>> -> memref<64x128xf32, #tpu.memory_space<vmem>>
        %dma_wait3A_149 = arith.constant 0 : i32
        %dma_wait3A_150 = arith.constant 0 : i32
        %dma_wait3A_151 = tpu.memref_slice %arg11[%dma_wait3A_149, %dma_wait3A_150] : memref<64x512xf32, #tpu.memory_space<vmem>> -> memref<64x128xf32, #tpu.memory_space<vmem>>
        tpu.wait_dma2 semaphore(%arg16 : memref<!tpu.dma_semaphore, #tpu.memory_space<semaphore_mem>>) src(%arg4 : memref<64x128xf32, #tpu.memory_space<hbm>>) dst(%dma_wait3A_151 : memref<64x128xf32, #tpu.memory_space<vmem>>)
      } else {
      }
      %eq3A_103 = arith.constant 1953 : i32
      %eq3A_104 = arith.cmpi eq, %add3A_80, %eq3A_103 : i32
      %mul3A_105 = arith.constant 512 : i32
      %mul3A_106 = arith.muli %add3A_80, %mul3A_105 : i32
      %jit3A = arith.constant 999872 : i32
      %select_n3A = arith.select %eq3A_104, %jit3A, %mul3A_106 : i32
      %le3A_107 = arith.constant 1953 : i32
      %le3A_108 = arith.cmpi sle, %add3A_80, %le3A_107 : i32
      %while3A = arith.constant 0 : i32
      %while3A_109 = arith.constant 0 : i32
      %while3A_110 = arith.constant 1 : i32
      %while3A_111:3 = scf.while (%while3A_147 = %while3A, %while3A_148 = %while3A_109, %while3A_149 = %while3A_110) : (i32, i32, i32) -> (i32, i32, i32) {
        %gt3A_150 = arith.constant 0 : i32
        %gt3A_151 = arith.cmpi sgt, %while3A_149, %gt3A_150 : i32
        %eq3A_152 = arith.constant 2048 : i32
        %eq3A_153 = arith.cmpi eq, %while3A_148, %eq3A_152 : i32
        %or3A = arith.ori %gt3A_151, %eq3A_153 : i1
        scf.condition(%or3A) %while3A_147, %while3A_148, %while3A_149 : i32, i32, i32
      } do {
      ^bb0(%while3A_147: i32, %while3A_148: i32, %while3A_149: i32):
        %add3A_150 = arith.constant 2 : i32
        %add3A_151 = arith.addi %shift_right_arithmetic3A_12, %add3A_150 : i32
        %jit3A_152 = arith.constant 0 : i32
        %select_n3A_153 = arith.select %le3A_108, %add3A_151, %jit3A_152 : i32
        %while3A_154 = arith.constant 0 : i32
        %while3A_155 = arith.constant 0 : i32
        %while3A_156 = arith.constant 0 : i32
        %while3A_157 = arith.subi %select_n3A_153, %while3A_154 : i32
        %while3A_158 = arith.addi %while3A_154, %while3A_157 : i32
        %while3A_159 = arith.constant 1 : i32
        %while3A_160 = arith.divsi %while3A_157, %while3A_159 : i32
        %while3A_161 = arith.muli %while3A_160, %while3A_159 : i32
        %while3A_162 = arith.addi %while3A_154, %while3A_161 : i32
        %while3A_163 = arith.constant 1 : i32
        %while3A_164:2 = scf.for %while3A_181 = %while3A_154 to %while3A_162 step %while3A_163 iter_args(%while3A_182 = %while3A_155, %while3A_183 = %while3A_156) -> (i32, i32)  : i32 {
          %mul3A_184 = arith.constant 16 : i32
          %mul3A_185 = arith.muli %while3A_181, %mul3A_184 : i32
          %get3A_186 = arith.index_cast %mul3A_185 : i32 to index
          %get3A_187 = tpu.vector_load %arg7[%get3A_186] {strides = array<i32>} : memref<16448xi32, #tpu.memory_space<vmem>>, vector<16xi32>,
          %mul3A_188 = arith.constant 16 : i32
          %mul3A_189 = arith.muli %while3A_181, %mul3A_188 : i32
          %get3A_190 = arith.index_cast %mul3A_189 : i32 to index
          %get3A_191 = tpu.vector_load %arg8[%get3A_190] {strides = array<i32>} : memref<16448xi32, #tpu.memory_space<vmem>>, vector<16xi32>,
          %shift_right_arithmetic3A_192 = arith.constant 9 : i32
          %shift_right_arithmetic3A_193 = vector.broadcast %shift_right_arithmetic3A_192 : i32 to vector<16xi32>
          %shift_right_arithmetic3A_194 = arith.shrsi %get3A_187, %shift_right_arithmetic3A_193 : vector<16xi32>
          %eq3A_195 = vector.broadcast %add3A_80 : i32 to vector<16xi32>
          %eq3A_196 = arith.cmpi eq, %shift_right_arithmetic3A_194, %eq3A_195 : vector<16xi32>
          %mul3A_197 = arith.constant 16 : i32
          %mul3A_198 = arith.muli %while3A_181, %mul3A_197 : i32
          %add3A_199 = vector.broadcast %mul3A_198 : i32 to vector<16xi32>
          %add3A_200 = arith.addi %add3A_199, %iota3A : vector<16xi32>
          %lt3A = vector.broadcast %scan3A_8 : i32 to vector<16xi32>
          %lt3A_201 = arith.cmpi slt, %add3A_200, %lt3A : vector<16xi32>
          %and3A = arith.andi %eq3A_196, %lt3A_201 : vector<16xi1>
          %convert_element_type3A_202 = arith.extui %and3A : vector<16xi1> to vector<16xi32>
          %broadcast_in_dim3A = arith.constant true
          %broadcast_in_dim3A_203 = vector.broadcast %broadcast_in_dim3A : i1 to vector<16xi1>
          %masked_cumsum3A = tpu.scan <sum>, %convert_element_type3A_202 masked %broadcast_in_dim3A_203 : vector<16xi32>, vector<16xi1> -> vector<16xi32>
          %add3A_204 = vector.broadcast %while3A_182 : i32 to vector<16xi32>
          %add3A_205 = arith.addi %add3A_204, %masked_cumsum3A : vector<16xi32>
          %sub3A = arith.constant 1 : i32
          %sub3A_206 = vector.broadcast %sub3A : i32 to vector<16xi32>
          %sub3A_207 = arith.subi %add3A_205, %sub3A_206 : vector<16xi32>
          %ge3A = vector.broadcast %while3A_147 : i32 to vector<16xi32>
          %ge3A_208 = arith.cmpi sge, %sub3A_207, %ge3A : vector<16xi32>
          %and3A_209 = arith.andi %and3A, %ge3A_208 : vector<16xi1>
          %add3A_210 = arith.constant 2048 : i32
          %add3A_211 = arith.addi %while3A_147, %add3A_210 : i32
          %lt3A_212 = vector.broadcast %add3A_211 : i32 to vector<16xi32>
          %lt3A_213 = arith.cmpi slt, %sub3A_207, %lt3A_212 : vector<16xi32>
          %and3A_214 = arith.andi %and3A_209, %lt3A_213 : vector<16xi1>
          %sub3A_215 = vector.broadcast %select_n3A : i32 to vector<16xi32>
          %sub3A_216 = arith.subi %get3A_187, %sub3A_215 : vector<16xi32>
          %swap3A_217 = arith.index_cast %while3A_183 : i32 to index
          %swap3A_218 = tpu.vector_load %arg9[%swap3A_217] masked %and3A_214 {strides = array<i32>} : memref<2064xi32, #tpu.memory_space<vmem>>, vector<16xi32>, vector<16xi1>
          tpu.vector_store %arg9[%swap3A_217], %sub3A_216 masked %and3A_214 {strides = array<i32>} : memref<2064xi32, #tpu.memory_space<vmem>>, vector<16xi32>, vector<16xi1>
          %swap3A_219 = arith.index_cast %while3A_183 : i32 to index
          %swap3A_220 = tpu.vector_load %arg10[%swap3A_219] masked %and3A_214 {strides = array<i32>} : memref<2064xi32, #tpu.memory_space<vmem>>, vector<16xi32>, vector<16xi1>
          tpu.vector_store %arg10[%swap3A_219], %get3A_191 masked %and3A_214 {strides = array<i32>} : memref<2064xi32, #tpu.memory_space<vmem>>, vector<16xi32>, vector<16xi1>
          %reduce_sum3A = arith.constant true
          %reduce_sum3A_221 = vector.broadcast %reduce_sum3A : i1 to vector<16xi1>
          %reduce_sum3A_222 = tpu.scan <sum>, %convert_element_type3A_202 masked %reduce_sum3A_221 : vector<16xi32>, vector<16xi1> -> vector<16xi32>
          %reduce_sum3A_223 = vector.extract %reduce_sum3A_222[15] : i32 from vector<16xi32>
          %add3A_224 = arith.addi %while3A_182, %reduce_sum3A_223 : i32
          %convert_element_type3A_225 = arith.extui %and3A_214 : vector<16xi1> to vector<16xi32>
          %reduce_sum3A_226 = arith.constant true
          %reduce_sum3A_227 = vector.broadcast %reduce_sum3A_226 : i1 to vector<16xi1>
          %reduce_sum3A_228 = tpu.scan <sum>, %convert_element_type3A_225 masked %reduce_sum3A_227 : vector<16xi32>, vector<16xi1> -> vector<16xi32>
          %reduce_sum3A_229 = vector.extract %reduce_sum3A_228[15] : i32 from vector<16xi32>
          %add3A_230 = arith.addi %while3A_183, %reduce_sum3A_229 : i32
          scf.yield %add3A_224, %add3A_230 : i32, i32
        }
        %while3A_165 = arith.constant 1 : i32
        %while3A_166:2 = scf.for %while3A_181 = %while3A_162 to %while3A_158 step %while3A_165 iter_args(%while3A_182 = %while3A_164#0, %while3A_183 = %while3A_164#1) -> (i32, i32)  : i32 {
          %mul3A_184 = arith.constant 16 : i32
          %mul3A_185 = arith.muli %while3A_181, %mul3A_184 : i32
          %get3A_186 = arith.index_cast %mul3A_185 : i32 to index
          %get3A_187 = tpu.vector_load %arg7[%get3A_186] {strides = array<i32>} : memref<16448xi32, #tpu.memory_space<vmem>>, vector<16xi32>,
          %mul3A_188 = arith.constant 16 : i32
          %mul3A_189 = arith.muli %while3A_181, %mul3A_188 : i32
          %get3A_190 = arith.index_cast %mul3A_189 : i32 to index
          %get3A_191 = tpu.vector_load %arg8[%get3A_190] {strides = array<i32>} : memref<16448xi32, #tpu.memory_space<vmem>>, vector<16xi32>,
          %shift_right_arithmetic3A_192 = arith.constant 9 : i32
          %shift_right_arithmetic3A_193 = vector.broadcast %shift_right_arithmetic3A_192 : i32 to vector<16xi32>
          %shift_right_arithmetic3A_194 = arith.shrsi %get3A_187, %shift_right_arithmetic3A_193 : vector<16xi32>
          %eq3A_195 = vector.broadcast %add3A_80 : i32 to vector<16xi32>
          %eq3A_196 = arith.cmpi eq, %shift_right_arithmetic3A_194, %eq3A_195 : vector<16xi32>
          %mul3A_197 = arith.constant 16 : i32
          %mul3A_198 = arith.muli %while3A_181, %mul3A_197 : i32
          %add3A_199 = vector.broadcast %mul3A_198 : i32 to vector<16xi32>
          %add3A_200 = arith.addi %add3A_199, %iota3A : vector<16xi32>
          %lt3A = vector.broadcast %scan3A_8 : i32 to vector<16xi32>
          %lt3A_201 = arith.cmpi slt, %add3A_200, %lt3A : vector<16xi32>
          %and3A = arith.andi %eq3A_196, %lt3A_201 : vector<16xi1>
          %convert_element_type3A_202 = arith.extui %and3A : vector<16xi1> to vector<16xi32>
          %broadcast_in_dim3A = arith.constant true
          %broadcast_in_dim3A_203 = vector.broadcast %broadcast_in_dim3A : i1 to vector<16xi1>
          %masked_cumsum3A = tpu.scan <sum>, %convert_element_type3A_202 masked %broadcast_in_dim3A_203 : vector<16xi32>, vector<16xi1> -> vector<16xi32>
          %add3A_204 = vector.broadcast %while3A_182 : i32 to vector<16xi32>
          %add3A_205 = arith.addi %add3A_204, %masked_cumsum3A : vector<16xi32>
          %sub3A = arith.constant 1 : i32
          %sub3A_206 = vector.broadcast %sub3A : i32 to vector<16xi32>
          %sub3A_207 = arith.subi %add3A_205, %sub3A_206 : vector<16xi32>
          %ge3A = vector.broadcast %while3A_147 : i32 to vector<16xi32>
          %ge3A_208 = arith.cmpi sge, %sub3A_207, %ge3A : vector<16xi32>
          %and3A_209 = arith.andi %and3A, %ge3A_208 : vector<16xi1>
          %add3A_210 = arith.constant 2048 : i32
          %add3A_211 = arith.addi %while3A_147, %add3A_210 : i32
          %lt3A_212 = vector.broadcast %add3A_211 : i32 to vector<16xi32>
          %lt3A_213 = arith.cmpi slt, %sub3A_207, %lt3A_212 : vector<16xi32>
          %and3A_214 = arith.andi %and3A_209, %lt3A_213 : vector<16xi1>
          %sub3A_215 = vector.broadcast %select_n3A : i32 to vector<16xi32>
          %sub3A_216 = arith.subi %get3A_187, %sub3A_215 : vector<16xi32>
          %swap3A_217 = arith.index_cast %while3A_183 : i32 to index
          %swap3A_218 = tpu.vector_load %arg9[%swap3A_217] masked %and3A_214 {strides = array<i32>} : memref<2064xi32, #tpu.memory_space<vmem>>, vector<16xi32>, vector<16xi1>
          tpu.vector_store %arg9[%swap3A_217], %sub3A_216 masked %and3A_214 {strides = array<i32>} : memref<2064xi32, #tpu.memory_space<vmem>>, vector<16xi32>, vector<16xi1>
          %swap3A_219 = arith.index_cast %while3A_183 : i32 to index
          %swap3A_220 = tpu.vector_load %arg10[%swap3A_219] masked %and3A_214 {strides = array<i32>} : memref<2064xi32, #tpu.memory_space<vmem>>, vector<16xi32>, vector<16xi1>
          tpu.vector_store %arg10[%swap3A_219], %get3A_191 masked %and3A_214 {strides = array<i32>} : memref<2064xi32, #tpu.memory_space<vmem>>, vector<16xi32>, vector<16xi1>
          %reduce_sum3A = arith.constant true
          %reduce_sum3A_221 = vector.broadcast %reduce_sum3A : i1 to vector<16xi1>
          %reduce_sum3A_222 = tpu.scan <sum>, %convert_element_type3A_202 masked %reduce_sum3A_221 : vector<16xi32>, vector<16xi1> -> vector<16xi32>
          %reduce_sum3A_223 = vector.extract %reduce_sum3A_222[15] : i32 from vector<16xi32>
          %add3A_224 = arith.addi %while3A_182, %reduce_sum3A_223 : i32
          %convert_element_type3A_225 = arith.extui %and3A_214 : vector<16xi1> to vector<16xi32>
          %reduce_sum3A_226 = arith.constant true
          %reduce_sum3A_227 = vector.broadcast %reduce_sum3A_226 : i1 to vector<16xi1>
          %reduce_sum3A_228 = tpu.scan <sum>, %convert_element_type3A_225 masked %reduce_sum3A_227 : vector<16xi32>, vector<16xi1> -> vector<16xi32>
          %reduce_sum3A_229 = vector.extract %reduce_sum3A_228[15] : i32 from vector<16xi32>
          %add3A_230 = arith.addi %while3A_183, %reduce_sum3A_229 : i32
          scf.yield %add3A_224, %add3A_230 : i32, i32
        }
        %while3A_167 = arith.constant 0 : i32
        %while3A_168 = arith.constant 0 : i32
        %while3A_169 = arith.subi %while3A_166#1, %while3A_167 : i32
        %while3A_170 = arith.addi %while3A_167, %while3A_169 : i32
        %while3A_171 = arith.constant 1 : i32
        %while3A_172 = arith.divsi %while3A_169, %while3A_171 : i32
        %while3A_173 = arith.muli %while3A_172, %while3A_171 : i32
        %while3A_174 = arith.addi %while3A_167, %while3A_173 : i32
        %while3A_175 = arith.constant 1 : i32
        %while3A_176 = scf.for %while3A_181 = %while3A_167 to %while3A_174 step %while3A_175 iter_args(%while3A_182 = %while3A_168) -> (i32)  : i32 {
          %get3A_183 = arith.constant 0 : i32
          %get3A_184 = arith.index_cast %get3A_183 : i32 to index
          %get3A_185 = memref.load %arg15[%get3A_184] : memref<8xi32, #tpu.memory_space<smem>>
          %get3A_186 = arith.constant 1 : i32
          %get3A_187 = arith.index_cast %get3A_186 : i32 to index
          %get3A_188 = memref.load %arg15[%get3A_187] : memref<8xi32, #tpu.memory_space<smem>>
          %get3A_189 = arith.constant 2 : i32
          %get3A_190 = arith.index_cast %get3A_189 : i32 to index
          %get3A_191 = memref.load %arg15[%get3A_190] : memref<8xi32, #tpu.memory_space<smem>>
          %get3A_192 = arith.index_cast %while3A_181 : i32 to index
          %get3A_193 = tpu.vector_load %arg9[%get3A_192] {strides = array<i32>} : memref<2064xi32, #tpu.memory_space<vmem>>, vector<16xi32>,
          %get3A_194 = arith.index_cast %while3A_181 : i32 to index
          %get3A_195 = tpu.vector_load %arg10[%get3A_194] {strides = array<i32>} : memref<2064xi32, #tpu.memory_space<vmem>>, vector<16xi32>,
          %slice3A = vector.extract_strided_slice %get3A_193 {offsets = [0], sizes = [1], strides = [1]} : vector<16xi32> to vector<1xi32>
          %squeeze3A = vector.extract %slice3A[0] : i32 from vector<1xi32>
          %broadcast_in_dim3A = vector.broadcast %squeeze3A : i32 to vector<16xi32>
          %slice3A_196 = vector.extract_strided_slice %get3A_195 {offsets = [0], sizes = [1], strides = [1]} : vector<16xi32> to vector<1xi32>
          %squeeze3A_197 = vector.extract %slice3A_196[0] : i32 from vector<1xi32>
          %and3A = arith.constant 15 : i32
          %and3A_198 = arith.andi %get3A_185, %and3A : i32
          %shift_right_arithmetic3A_199 = arith.constant 4 : i32
          %shift_right_arithmetic3A_200 = arith.shrsi %get3A_185, %shift_right_arithmetic3A_199 : i32
          %eq3A_201 = arith.constant 0 : i32
          %eq3A_202 = arith.cmpi eq, %and3A_198, %eq3A_201 : i32
          %eq3A_203 = arith.constant 0 : i32
          %eq3A_204 = arith.cmpi eq, %shift_right_arithmetic3A_200, %eq3A_203 : i32
          %and3A_205 = arith.andi %eq3A_202, %eq3A_204 : i1
          %gt3A_206 = arith.constant 0 : i32
          %gt3A_207 = arith.cmpi sgt, %get3A_188, %gt3A_206 : i32
          %and3A_208 = arith.andi %and3A_205, %gt3A_207 : i1
          %eq3A_209 = arith.constant 0 : i32
          %eq3A_210 = arith.cmpi eq, %and3A_198, %eq3A_209 : i32
          %eq3A_211 = arith.constant 1 : i32
          %eq3A_212 = arith.cmpi eq, %shift_right_arithmetic3A_200, %eq3A_211 : i32
          %and3A_213 = arith.andi %eq3A_210, %eq3A_212 : i1
          %gt3A_214 = arith.constant 0 : i32
          %gt3A_215 = arith.cmpi sgt, %get3A_191, %gt3A_214 : i32
          %and3A_216 = arith.andi %and3A_213, %gt3A_215 : i1
          %convert_element_type3A_217 = arith.extui %and3A_208 : i1 to i32
          %cond3A_218 = arith.constant 0 : i32
          %cond3A_219 = arith.cmpi ne, %convert_element_type3A_217, %cond3A_218 : i32
          scf.if %cond3A_219 {
            %dma_wait3A = arith.constant 0 : i32
            %dma_wait3A_288 = arith.constant 0 : i32
            %dma_wait3A_289 = tpu.memref_slice %arg13[%dma_wait3A, %dma_wait3A_288] : memref<32x128xf32, #tpu.memory_space<vmem>> -> memref<16x128xf32, #tpu.memory_space<vmem>>
            %dma_wait3A_290 = arith.constant 0 : i32
            %dma_wait3A_291 = arith.constant 0 : i32
            %dma_wait3A_292 = tpu.memref_slice %arg5[%dma_wait3A_290, %dma_wait3A_291] : memref<16400x128xf32, #tpu.memory_space<hbm>> -> memref<16x128xf32, #tpu.memory_space<hbm>>
            %dma_wait3A_293 = arith.constant 0 : i32
            %dma_wait3A_294 = arith.constant 0 : i32
            %dma_wait3A_295 = tpu.memref_slice %arg13[%dma_wait3A_293, %dma_wait3A_294] : memref<32x128xf32, #tpu.memory_space<vmem>> -> memref<16x128xf32, #tpu.memory_space<vmem>>
            %dma_wait3A_296 = arith.constant 0 : i32
            %dma_wait3A_297 = arith.constant 0 : i32
            %dma_wait3A_298 = tpu.memref_slice %arg5[%dma_wait3A_296, %dma_wait3A_297] : memref<16400x128xf32, #tpu.memory_space<hbm>> -> memref<16x128xf32, #tpu.memory_space<hbm>>
            tpu.wait_dma2 semaphore(%arg18 : memref<!tpu.dma_semaphore, #tpu.memory_space<semaphore_mem>>) src(%dma_wait3A_298 : memref<16x128xf32, #tpu.memory_space<hbm>>) dst(%dma_wait3A_295 : memref<16x128xf32, #tpu.memory_space<vmem>>)
            %swap3A_299 = arith.constant 0 : i32
            %swap3A_300 = arith.constant 1 : i32
            %swap3A_301 = arith.index_cast %swap3A_300 : i32 to index
            %swap3A_302 = memref.load %arg15[%swap3A_301] : memref<8xi32, #tpu.memory_space<smem>>
            memref.store %swap3A_299, %arg15[%swap3A_301] : memref<8xi32, #tpu.memory_space<smem>>
          } else {
          }
          %convert_element_type3A_220 = arith.extui %and3A_216 : i1 to i32
          %cond3A_221 = arith.constant 0 : i32
          %cond3A_222 = arith.cmpi ne, %convert_element_type3A_220, %cond3A_221 : i32
          scf.if %cond3A_222 {
            %dma_wait3A = arith.constant 16 : i32
            %dma_wait3A_288 = arith.constant 0 : i32
            %dma_wait3A_289 = tpu.memref_slice %arg13[%dma_wait3A, %dma_wait3A_288] : memref<32x128xf32, #tpu.memory_space<vmem>> -> memref<16x128xf32, #tpu.memory_space<vmem>>
            %dma_wait3A_290 = arith.constant 0 : i32
            %dma_wait3A_291 = arith.constant 0 : i32
            %dma_wait3A_292 = tpu.memref_slice %arg5[%dma_wait3A_290, %dma_wait3A_291] : memref<16400x128xf32, #tpu.memory_space<hbm>> -> memref<16x128xf32, #tpu.memory_space<hbm>>
            %dma_wait3A_293 = arith.constant 16 : i32
            %dma_wait3A_294 = arith.constant 0 : i32
            %dma_wait3A_295 = tpu.memref_slice %arg13[%dma_wait3A_293, %dma_wait3A_294] : memref<32x128xf32, #tpu.memory_space<vmem>> -> memref<16x128xf32, #tpu.memory_space<vmem>>
            %dma_wait3A_296 = arith.constant 0 : i32
            %dma_wait3A_297 = arith.constant 0 : i32
            %dma_wait3A_298 = tpu.memref_slice %arg5[%dma_wait3A_296, %dma_wait3A_297] : memref<16400x128xf32, #tpu.memory_space<hbm>> -> memref<16x128xf32, #tpu.memory_space<hbm>>
            tpu.wait_dma2 semaphore(%arg19 : memref<!tpu.dma_semaphore, #tpu.memory_space<semaphore_mem>>) src(%dma_wait3A_298 : memref<16x128xf32, #tpu.memory_space<hbm>>) dst(%dma_wait3A_295 : memref<16x128xf32, #tpu.memory_space<vmem>>)
            %swap3A_299 = arith.constant 0 : i32
            %swap3A_300 = arith.constant 2 : i32
            %swap3A_301 = arith.index_cast %swap3A_300 : i32 to index
            %swap3A_302 = memref.load %arg15[%swap3A_301] : memref<8xi32, #tpu.memory_space<smem>>
            memref.store %swap3A_299, %arg15[%swap3A_301] : memref<8xi32, #tpu.memory_space<smem>>
          } else {
          }
          %and3A_223 = arith.constant 31 : i32
          %and3A_224 = arith.andi %get3A_185, %and3A_223 : i32
          %broadcast_in_dim3A_225 = vector.broadcast %and3A_224 : i32 to vector<16xi32>
          %add3A_226 = arith.constant 0 : i32
          %add3A_227 = vector.broadcast %add3A_226 : i32 to vector<16xi32>
          %add3A_228 = arith.addi %add3A_227, %iota3A : vector<16xi32>
          %gather3A = tpu.vector_load_idx %arg11[%add3A_228, %broadcast_in_dim3A] : memref<64x512xf32, #tpu.memory_space<vmem>>[vector<16xi32>, vector<16xi32>], vector<16xf32>,
          %add3A_229 = arith.constant 0 : i32
          %add3A_230 = vector.broadcast %add3A_229 : i32 to vector<16xi32>
          %add3A_231 = arith.addi %add3A_230, %iota3A : vector<16xi32>
          tpu.vector_store_idx %arg13[%broadcast_in_dim3A_225, %add3A_231], %gather3A : memref<32x128xf32, #tpu.memory_space<vmem>>[vector<16xi32>, vector<16xi32>], vector<16xf32>,
          %add3A_232 = arith.constant 16 : i32
          %add3A_233 = vector.broadcast %add3A_232 : i32 to vector<16xi32>
          %add3A_234 = arith.addi %add3A_233, %iota3A : vector<16xi32>
          %gather3A_235 = tpu.vector_load_idx %arg11[%add3A_234, %broadcast_in_dim3A] : memref<64x512xf32, #tpu.memory_space<vmem>>[vector<16xi32>, vector<16xi32>], vector<16xf32>,
          %add3A_236 = arith.constant 16 : i32
          %add3A_237 = vector.broadcast %add3A_236 : i32 to vector<16xi32>
          %add3A_238 = arith.addi %add3A_237, %iota3A : vector<16xi32>
          tpu.vector_store_idx %arg13[%broadcast_in_dim3A_225, %add3A_238], %gather3A_235 : memref<32x128xf32, #tpu.memory_space<vmem>>[vector<16xi32>, vector<16xi32>], vector<16xf32>,
          %add3A_239 = arith.constant 32 : i32
          %add3A_240 = vector.broadcast %add3A_239 : i32 to vector<16xi32>
          %add3A_241 = arith.addi %add3A_240, %iota3A : vector<16xi32>
          %gather3A_242 = tpu.vector_load_idx %arg11[%add3A_241, %broadcast_in_dim3A] : memref<64x512xf32, #tpu.memory_space<vmem>>[vector<16xi32>, vector<16xi32>], vector<16xf32>,
          %add3A_243 = arith.constant 32 : i32
          %add3A_244 = vector.broadcast %add3A_243 : i32 to vector<16xi32>
          %add3A_245 = arith.addi %add3A_244, %iota3A : vector<16xi32>
          tpu.vector_store_idx %arg13[%broadcast_in_dim3A_225, %add3A_245], %gather3A_242 : memref<32x128xf32, #tpu.memory_space<vmem>>[vector<16xi32>, vector<16xi32>], vector<16xf32>,
          %add3A_246 = arith.constant 48 : i32
          %add3A_247 = vector.broadcast %add3A_246 : i32 to vector<16xi32>
          %add3A_248 = arith.addi %add3A_247, %iota3A : vector<16xi32>
          %gather3A_249 = tpu.vector_load_idx %arg11[%add3A_248, %broadcast_in_dim3A] : memref<64x512xf32, #tpu.memory_space<vmem>>[vector<16xi32>, vector<16xi32>], vector<16xf32>,
          %add3A_250 = arith.constant 48 : i32
          %add3A_251 = vector.broadcast %add3A_250 : i32 to vector<16xi32>
          %add3A_252 = arith.addi %add3A_251, %iota3A : vector<16xi32>
          tpu.vector_store_idx %arg13[%broadcast_in_dim3A_225, %add3A_252], %gather3A_249 : memref<32x128xf32, #tpu.memory_space<vmem>>[vector<16xi32>, vector<16xi32>], vector<16xf32>,
          %get3A_253 = arith.constant 2 : i32
          %get3A_254 = arith.index_cast %get3A_253 : i32 to index
          %get3A_255 = arith.constant 0 : index
          %get3A_256 = tpu.vector_load %arg14[%get3A_254, %get3A_255] {strides = array<i32>} : memref<3x16xi32, #tpu.memory_space<vmem>>, vector<16xi32>,
          %eq3A_257 = vector.broadcast %and3A_198 : i32 to vector<16xi32>
          %eq3A_258 = arith.cmpi eq, %iota3A, %eq3A_257 : vector<16xi32>
          %broadcast_in_dim3A_259 = vector.broadcast %squeeze3A_197 : i32 to vector<16xi32>
          %select_n3A_260 = arith.select %eq3A_258, %broadcast_in_dim3A_259, %get3A_256 : vector<16xi1>, vector<16xi32>
          %eq3A_261 = arith.constant 15 : i32
          %eq3A_262 = arith.cmpi eq, %and3A_198, %eq3A_261 : i32
          %select_n3A_263 = arith.select %eq3A_262, %add3A_3, %select_n3A_260 : vector<16xi32>
          %swap3A_264 = arith.constant 2 : i32
          %swap3A_265 = arith.index_cast %swap3A_264 : i32 to index
          %swap3A_266 = arith.constant 0 : index
          %swap3A_267 = tpu.vector_load %arg14[%swap3A_265, %swap3A_266] {strides = array<i32>} : memref<3x16xi32, #tpu.memory_space<vmem>>, vector<16xi32>,
          tpu.vector_store %arg14[%swap3A_265, %swap3A_266], %select_n3A_263 {strides = array<i32>} : memref<3x16xi32, #tpu.memory_space<vmem>>, vector<16xi32>,
          %eq3A_268 = arith.constant 0 : i32
          %eq3A_269 = arith.cmpi eq, %shift_right_arithmetic3A_200, %eq3A_268 : i32
          %and3A_270 = arith.andi %eq3A_262, %eq3A_269 : i1
          %convert_element_type3A_271 = arith.extui %and3A_270 : i1 to i32
          %cond3A_272 = arith.constant 0 : i32
          %cond3A_273 = arith.cmpi ne, %convert_element_type3A_271, %cond3A_272 : i32
          scf.if %cond3A_273 {
            %swap3A_288 = arith.constant 0 : i32
            %swap3A_289 = arith.index_cast %swap3A_288 : i32 to index
            %swap3A_290 = arith.constant 0 : index
            %swap3A_291 = tpu.vector_load %arg14[%swap3A_289, %swap3A_290] {strides = array<i32>} : memref<3x16xi32, #tpu.memory_space<vmem>>, vector<16xi32>,
            tpu.vector_store %arg14[%swap3A_289, %swap3A_290], %select_n3A_260 {strides = array<i32>} : memref<3x16xi32, #tpu.memory_space<vmem>>, vector<16xi32>,
            %dma_start3A = arith.constant 0 : i32
            %dma_start3A_292 = arith.constant 0 : i32
            %dma_start3A_293 = arith.constant 0 : i32
            %dma_start3A_294 = tpu.memref_slice %arg13[%dma_start3A_292, %dma_start3A_293] : memref<32x128xf32, #tpu.memory_space<vmem>> -> memref<16x128xf32, #tpu.memory_space<vmem>>
            %dma_start3A_295 = arith.constant 0 : i32
            %dma_start3A_296 = tpu.memref_slice %arg14[%dma_start3A, %dma_start3A_295] : memref<3x16xi32, #tpu.memory_space<vmem>> -> memref<1x16xi32, #tpu.memory_space<vmem>>
            %dma_start3A_297 = tpu.memref_squeeze %dma_start3A_296 : memref<1x16xi32, #tpu.memory_space<vmem>> -> memref<16xi32, #tpu.memory_space<vmem>>
            %dma_start3A_298 = arith.constant 0 : i32
            %dma_start3A_299 = arith.constant 0 : i32
            %dma_start3A_300 = tpu.memref_slice %arg5[%dma_start3A_298, %dma_start3A_299] : memref<16400x128xf32, #tpu.memory_space<hbm>> -> memref<16400x128xf32, #tpu.memory_space<hbm>>
            tpu.enqueue_indirect_dma source(%dma_start3A_294 : memref<16x128xf32, #tpu.memory_space<vmem>>) target(%dma_start3A_300 : memref<16400x128xf32, #tpu.memory_space<hbm>>) offsets(%dma_start3A_297 : memref<16xi32, #tpu.memory_space<vmem>>) semaphore(%arg18 : memref<!tpu.dma_semaphore, #tpu.memory_space<semaphore_mem>>)
            %swap3A_301 = arith.constant 1 : i32
            %swap3A_302 = arith.constant 1 : i32
            %swap3A_303 = arith.index_cast %swap3A_302 : i32 to index
            %swap3A_304 = memref.load %arg15[%swap3A_303] : memref<8xi32, #tpu.memory_space<smem>>
            memref.store %swap3A_301, %arg15[%swap3A_303] : memref<8xi32, #tpu.memory_space<smem>>
          } else {
          }
          %eq3A_274 = arith.constant 1 : i32
          %eq3A_275 = arith.cmpi eq, %shift_right_arithmetic3A_200, %eq3A_274 : i32
          %and3A_276 = arith.andi %eq3A_262, %eq3A_275 : i1
          %convert_element_type3A_277 = arith.extui %and3A_276 : i1 to i32
          %cond3A_278 = arith.constant 0 : i32
          %cond3A_279 = arith.cmpi ne, %convert_element_type3A_277, %cond3A_278 : i32
          scf.if %cond3A_279 {
            %swap3A_288 = arith.constant 1 : i32
            %swap3A_289 = arith.index_cast %swap3A_288 : i32 to index
            %swap3A_290 = arith.constant 0 : index
            %swap3A_291 = tpu.vector_load %arg14[%swap3A_289, %swap3A_290] {strides = array<i32>} : memref<3x16xi32, #tpu.memory_space<vmem>>, vector<16xi32>,
            tpu.vector_store %arg14[%swap3A_289, %swap3A_290], %select_n3A_260 {strides = array<i32>} : memref<3x16xi32, #tpu.memory_space<vmem>>, vector<16xi32>,
            %dma_start3A = arith.constant 1 : i32
            %dma_start3A_292 = arith.constant 16 : i32
            %dma_start3A_293 = arith.constant 0 : i32
            %dma_start3A_294 = tpu.memref_slice %arg13[%dma_start3A_292, %dma_start3A_293] : memref<32x128xf32, #tpu.memory_space<vmem>> -> memref<16x128xf32, #tpu.memory_space<vmem>>
            %dma_start3A_295 = arith.constant 0 : i32
            %dma_start3A_296 = tpu.memref_slice %arg14[%dma_start3A, %dma_start3A_295] : memref<3x16xi32, #tpu.memory_space<vmem>> -> memref<1x16xi32, #tpu.memory_space<vmem>>
            %dma_start3A_297 = tpu.memref_squeeze %dma_start3A_296 : memref<1x16xi32, #tpu.memory_space<vmem>> -> memref<16xi32, #tpu.memory_space<vmem>>
            %dma_start3A_298 = arith.constant 0 : i32
            %dma_start3A_299 = arith.constant 0 : i32
            %dma_start3A_300 = tpu.memref_slice %arg5[%dma_start3A_298, %dma_start3A_299] : memref<16400x128xf32, #tpu.memory_space<hbm>> -> memref<16400x128xf32, #tpu.memory_space<hbm>>
            tpu.enqueue_indirect_dma source(%dma_start3A_294 : memref<16x128xf32, #tpu.memory_space<vmem>>) target(%dma_start3A_300 : memref<16400x128xf32, #tpu.memory_space<hbm>>) offsets(%dma_start3A_297 : memref<16xi32, #tpu.memory_space<vmem>>) semaphore(%arg19 : memref<!tpu.dma_semaphore, #tpu.memory_space<semaphore_mem>>)
            %swap3A_301 = arith.constant 1 : i32
            %swap3A_302 = arith.constant 2 : i32
            %swap3A_303 = arith.index_cast %swap3A_302 : i32 to index
            %swap3A_304 = memref.load %arg15[%swap3A_303] : memref<8xi32, #tpu.memory_space<smem>>
            memref.store %swap3A_301, %arg15[%swap3A_303] : memref<8xi32, #tpu.memory_space<smem>>
          } else {
          }
          %add3A_280 = arith.constant 1 : i32
          %add3A_281 = arith.addi %get3A_185, %add3A_280 : i32
          %and3A_282 = arith.constant 31 : i32
          %and3A_283 = arith.andi %add3A_281, %and3A_282 : i32
          %swap3A_284 = arith.constant 0 : i32
          %swap3A_285 = arith.index_cast %swap3A_284 : i32 to index
          %swap3A_286 = memref.load %arg15[%swap3A_285] : memref<8xi32, #tpu.memory_space<smem>>
          memref.store %and3A_283, %arg15[%swap3A_285] : memref<8xi32, #tpu.memory_space<smem>>
          %while3A_287 = arith.constant 0 : i32
          scf.yield %while3A_287 : i32
        }
        %while3A_177 = arith.constant 1 : i32
        %while3A_178 = scf.for %while3A_181 = %while3A_174 to %while3A_170 step %while3A_177 iter_args(%while3A_182 = %while3A_176) -> (i32)  : i32 {
          %get3A_183 = arith.constant 0 : i32
          %get3A_184 = arith.index_cast %get3A_183 : i32 to index
          %get3A_185 = memref.load %arg15[%get3A_184] : memref<8xi32, #tpu.memory_space<smem>>
          %get3A_186 = arith.constant 1 : i32
          %get3A_187 = arith.index_cast %get3A_186 : i32 to index
          %get3A_188 = memref.load %arg15[%get3A_187] : memref<8xi32, #tpu.memory_space<smem>>
          %get3A_189 = arith.constant 2 : i32
          %get3A_190 = arith.index_cast %get3A_189 : i32 to index
          %get3A_191 = memref.load %arg15[%get3A_190] : memref<8xi32, #tpu.memory_space<smem>>
          %get3A_192 = arith.index_cast %while3A_181 : i32 to index
          %get3A_193 = tpu.vector_load %arg9[%get3A_192] {strides = array<i32>} : memref<2064xi32, #tpu.memory_space<vmem>>, vector<16xi32>,
          %get3A_194 = arith.index_cast %while3A_181 : i32 to index
          %get3A_195 = tpu.vector_load %arg10[%get3A_194] {strides = array<i32>} : memref<2064xi32, #tpu.memory_space<vmem>>, vector<16xi32>,
          %slice3A = vector.extract_strided_slice %get3A_193 {offsets = [0], sizes = [1], strides = [1]} : vector<16xi32> to vector<1xi32>
          %squeeze3A = vector.extract %slice3A[0] : i32 from vector<1xi32>
          %broadcast_in_dim3A = vector.broadcast %squeeze3A : i32 to vector<16xi32>
          %slice3A_196 = vector.extract_strided_slice %get3A_195 {offsets = [0], sizes = [1], strides = [1]} : vector<16xi32> to vector<1xi32>
          %squeeze3A_197 = vector.extract %slice3A_196[0] : i32 from vector<1xi32>
          %and3A = arith.constant 15 : i32
          %and3A_198 = arith.andi %get3A_185, %and3A : i32
          %shift_right_arithmetic3A_199 = arith.constant 4 : i32
          %shift_right_arithmetic3A_200 = arith.shrsi %get3A_185, %shift_right_arithmetic3A_199 : i32
          %eq3A_201 = arith.constant 0 : i32
          %eq3A_202 = arith.cmpi eq, %and3A_198, %eq3A_201 : i32
          %eq3A_203 = arith.constant 0 : i32
          %eq3A_204 = arith.cmpi eq, %shift_right_arithmetic3A_200, %eq3A_203 : i32
          %and3A_205 = arith.andi %eq3A_202, %eq3A_204 : i1
          %gt3A_206 = arith.constant 0 : i32
          %gt3A_207 = arith.cmpi sgt, %get3A_188, %gt3A_206 : i32
          %and3A_208 = arith.andi %and3A_205, %gt3A_207 : i1
          %eq3A_209 = arith.constant 0 : i32
          %eq3A_210 = arith.cmpi eq, %and3A_198, %eq3A_209 : i32
          %eq3A_211 = arith.constant 1 : i32
          %eq3A_212 = arith.cmpi eq, %shift_right_arithmetic3A_200, %eq3A_211 : i32
          %and3A_213 = arith.andi %eq3A_210, %eq3A_212 : i1
          %gt3A_214 = arith.constant 0 : i32
          %gt3A_215 = arith.cmpi sgt, %get3A_191, %gt3A_214 : i32
          %and3A_216 = arith.andi %and3A_213, %gt3A_215 : i1
          %convert_element_type3A_217 = arith.extui %and3A_208 : i1 to i32
          %cond3A_218 = arith.constant 0 : i32
          %cond3A_219 = arith.cmpi ne, %convert_element_type3A_217, %cond3A_218 : i32
          scf.if %cond3A_219 {
            %dma_wait3A = arith.constant 0 : i32
            %dma_wait3A_288 = arith.constant 0 : i32
            %dma_wait3A_289 = tpu.memref_slice %arg13[%dma_wait3A, %dma_wait3A_288] : memref<32x128xf32, #tpu.memory_space<vmem>> -> memref<16x128xf32, #tpu.memory_space<vmem>>
            %dma_wait3A_290 = arith.constant 0 : i32
            %dma_wait3A_291 = arith.constant 0 : i32
            %dma_wait3A_292 = tpu.memref_slice %arg5[%dma_wait3A_290, %dma_wait3A_291] : memref<16400x128xf32, #tpu.memory_space<hbm>> -> memref<16x128xf32, #tpu.memory_space<hbm>>
            %dma_wait3A_293 = arith.constant 0 : i32
            %dma_wait3A_294 = arith.constant 0 : i32
            %dma_wait3A_295 = tpu.memref_slice %arg13[%dma_wait3A_293, %dma_wait3A_294] : memref<32x128xf32, #tpu.memory_space<vmem>> -> memref<16x128xf32, #tpu.memory_space<vmem>>
            %dma_wait3A_296 = arith.constant 0 : i32
            %dma_wait3A_297 = arith.constant 0 : i32
            %dma_wait3A_298 = tpu.memref_slice %arg5[%dma_wait3A_296, %dma_wait3A_297] : memref<16400x128xf32, #tpu.memory_space<hbm>> -> memref<16x128xf32, #tpu.memory_space<hbm>>
            tpu.wait_dma2 semaphore(%arg18 : memref<!tpu.dma_semaphore, #tpu.memory_space<semaphore_mem>>) src(%dma_wait3A_298 : memref<16x128xf32, #tpu.memory_space<hbm>>) dst(%dma_wait3A_295 : memref<16x128xf32, #tpu.memory_space<vmem>>)
            %swap3A_299 = arith.constant 0 : i32
            %swap3A_300 = arith.constant 1 : i32
            %swap3A_301 = arith.index_cast %swap3A_300 : i32 to index
            %swap3A_302 = memref.load %arg15[%swap3A_301] : memref<8xi32, #tpu.memory_space<smem>>
            memref.store %swap3A_299, %arg15[%swap3A_301] : memref<8xi32, #tpu.memory_space<smem>>
          } else {
          }
          %convert_element_type3A_220 = arith.extui %and3A_216 : i1 to i32
          %cond3A_221 = arith.constant 0 : i32
          %cond3A_222 = arith.cmpi ne, %convert_element_type3A_220, %cond3A_221 : i32
          scf.if %cond3A_222 {
            %dma_wait3A = arith.constant 16 : i32
            %dma_wait3A_288 = arith.constant 0 : i32
            %dma_wait3A_289 = tpu.memref_slice %arg13[%dma_wait3A, %dma_wait3A_288] : memref<32x128xf32, #tpu.memory_space<vmem>> -> memref<16x128xf32, #tpu.memory_space<vmem>>
            %dma_wait3A_290 = arith.constant 0 : i32
            %dma_wait3A_291 = arith.constant 0 : i32
            %dma_wait3A_292 = tpu.memref_slice %arg5[%dma_wait3A_290, %dma_wait3A_291] : memref<16400x128xf32, #tpu.memory_space<hbm>> -> memref<16x128xf32, #tpu.memory_space<hbm>>
            %dma_wait3A_293 = arith.constant 16 : i32
            %dma_wait3A_294 = arith.constant 0 : i32
            %dma_wait3A_295 = tpu.memref_slice %arg13[%dma_wait3A_293, %dma_wait3A_294] : memref<32x128xf32, #tpu.memory_space<vmem>> -> memref<16x128xf32, #tpu.memory_space<vmem>>
            %dma_wait3A_296 = arith.constant 0 : i32
            %dma_wait3A_297 = arith.constant 0 : i32
            %dma_wait3A_298 = tpu.memref_slice %arg5[%dma_wait3A_296, %dma_wait3A_297] : memref<16400x128xf32, #tpu.memory_space<hbm>> -> memref<16x128xf32, #tpu.memory_space<hbm>>
            tpu.wait_dma2 semaphore(%arg19 : memref<!tpu.dma_semaphore, #tpu.memory_space<semaphore_mem>>) src(%dma_wait3A_298 : memref<16x128xf32, #tpu.memory_space<hbm>>) dst(%dma_wait3A_295 : memref<16x128xf32, #tpu.memory_space<vmem>>)
            %swap3A_299 = arith.constant 0 : i32
            %swap3A_300 = arith.constant 2 : i32
            %swap3A_301 = arith.index_cast %swap3A_300 : i32 to index
            %swap3A_302 = memref.load %arg15[%swap3A_301] : memref<8xi32, #tpu.memory_space<smem>>
            memref.store %swap3A_299, %arg15[%swap3A_301] : memref<8xi32, #tpu.memory_space<smem>>
          } else {
          }
          %and3A_223 = arith.constant 31 : i32
          %and3A_224 = arith.andi %get3A_185, %and3A_223 : i32
          %broadcast_in_dim3A_225 = vector.broadcast %and3A_224 : i32 to vector<16xi32>
          %add3A_226 = arith.constant 0 : i32
          %add3A_227 = vector.broadcast %add3A_226 : i32 to vector<16xi32>
          %add3A_228 = arith.addi %add3A_227, %iota3A : vector<16xi32>
          %gather3A = tpu.vector_load_idx %arg11[%add3A_228, %broadcast_in_dim3A] : memref<64x512xf32, #tpu.memory_space<vmem>>[vector<16xi32>, vector<16xi32>], vector<16xf32>,
          %add3A_229 = arith.constant 0 : i32
          %add3A_230 = vector.broadcast %add3A_229 : i32 to vector<16xi32>
          %add3A_231 = arith.addi %add3A_230, %iota3A : vector<16xi32>
          tpu.vector_store_idx %arg13[%broadcast_in_dim3A_225, %add3A_231], %gather3A : memref<32x128xf32, #tpu.memory_space<vmem>>[vector<16xi32>, vector<16xi32>], vector<16xf32>,
          %add3A_232 = arith.constant 16 : i32
          %add3A_233 = vector.broadcast %add3A_232 : i32 to vector<16xi32>
          %add3A_234 = arith.addi %add3A_233, %iota3A : vector<16xi32>
          %gather3A_235 = tpu.vector_load_idx %arg11[%add3A_234, %broadcast_in_dim3A] : memref<64x512xf32, #tpu.memory_space<vmem>>[vector<16xi32>, vector<16xi32>], vector<16xf32>,
          %add3A_236 = arith.constant 16 : i32
          %add3A_237 = vector.broadcast %add3A_236 : i32 to vector<16xi32>
          %add3A_238 = arith.addi %add3A_237, %iota3A : vector<16xi32>
          tpu.vector_store_idx %arg13[%broadcast_in_dim3A_225, %add3A_238], %gather3A_235 : memref<32x128xf32, #tpu.memory_space<vmem>>[vector<16xi32>, vector<16xi32>], vector<16xf32>,
          %add3A_239 = arith.constant 32 : i32
          %add3A_240 = vector.broadcast %add3A_239 : i32 to vector<16xi32>
          %add3A_241 = arith.addi %add3A_240, %iota3A : vector<16xi32>
          %gather3A_242 = tpu.vector_load_idx %arg11[%add3A_241, %broadcast_in_dim3A] : memref<64x512xf32, #tpu.memory_space<vmem>>[vector<16xi32>, vector<16xi32>], vector<16xf32>,
          %add3A_243 = arith.constant 32 : i32
          %add3A_244 = vector.broadcast %add3A_243 : i32 to vector<16xi32>
          %add3A_245 = arith.addi %add3A_244, %iota3A : vector<16xi32>
          tpu.vector_store_idx %arg13[%broadcast_in_dim3A_225, %add3A_245], %gather3A_242 : memref<32x128xf32, #tpu.memory_space<vmem>>[vector<16xi32>, vector<16xi32>], vector<16xf32>,
          %add3A_246 = arith.constant 48 : i32
          %add3A_247 = vector.broadcast %add3A_246 : i32 to vector<16xi32>
          %add3A_248 = arith.addi %add3A_247, %iota3A : vector<16xi32>
          %gather3A_249 = tpu.vector_load_idx %arg11[%add3A_248, %broadcast_in_dim3A] : memref<64x512xf32, #tpu.memory_space<vmem>>[vector<16xi32>, vector<16xi32>], vector<16xf32>,
          %add3A_250 = arith.constant 48 : i32
          %add3A_251 = vector.broadcast %add3A_250 : i32 to vector<16xi32>
          %add3A_252 = arith.addi %add3A_251, %iota3A : vector<16xi32>
          tpu.vector_store_idx %arg13[%broadcast_in_dim3A_225, %add3A_252], %gather3A_249 : memref<32x128xf32, #tpu.memory_space<vmem>>[vector<16xi32>, vector<16xi32>], vector<16xf32>,
          %get3A_253 = arith.constant 2 : i32
          %get3A_254 = arith.index_cast %get3A_253 : i32 to index
          %get3A_255 = arith.constant 0 : index
          %get3A_256 = tpu.vector_load %arg14[%get3A_254, %get3A_255] {strides = array<i32>} : memref<3x16xi32, #tpu.memory_space<vmem>>, vector<16xi32>,
          %eq3A_257 = vector.broadcast %and3A_198 : i32 to vector<16xi32>
          %eq3A_258 = arith.cmpi eq, %iota3A, %eq3A_257 : vector<16xi32>
          %broadcast_in_dim3A_259 = vector.broadcast %squeeze3A_197 : i32 to vector<16xi32>
          %select_n3A_260 = arith.select %eq3A_258, %broadcast_in_dim3A_259, %get3A_256 : vector<16xi1>, vector<16xi32>
          %eq3A_261 = arith.constant 15 : i32
          %eq3A_262 = arith.cmpi eq, %and3A_198, %eq3A_261 : i32
          %select_n3A_263 = arith.select %eq3A_262, %add3A_3, %select_n3A_260 : vector<16xi32>
          %swap3A_264 = arith.constant 2 : i32
          %swap3A_265 = arith.index_cast %swap3A_264 : i32 to index
          %swap3A_266 = arith.constant 0 : index
          %swap3A_267 = tpu.vector_load %arg14[%swap3A_265, %swap3A_266] {strides = array<i32>} : memref<3x16xi32, #tpu.memory_space<vmem>>, vector<16xi32>,
          tpu.vector_store %arg14[%swap3A_265, %swap3A_266], %select_n3A_263 {strides = array<i32>} : memref<3x16xi32, #tpu.memory_space<vmem>>, vector<16xi32>,
          %eq3A_268 = arith.constant 0 : i32
          %eq3A_269 = arith.cmpi eq, %shift_right_arithmetic3A_200, %eq3A_268 : i32
          %and3A_270 = arith.andi %eq3A_262, %eq3A_269 : i1
          %convert_element_type3A_271 = arith.extui %and3A_270 : i1 to i32
          %cond3A_272 = arith.constant 0 : i32
          %cond3A_273 = arith.cmpi ne, %convert_element_type3A_271, %cond3A_272 : i32
          scf.if %cond3A_273 {
            %swap3A_288 = arith.constant 0 : i32
            %swap3A_289 = arith.index_cast %swap3A_288 : i32 to index
            %swap3A_290 = arith.constant 0 : index
            %swap3A_291 = tpu.vector_load %arg14[%swap3A_289, %swap3A_290] {strides = array<i32>} : memref<3x16xi32, #tpu.memory_space<vmem>>, vector<16xi32>,
            tpu.vector_store %arg14[%swap3A_289, %swap3A_290], %select_n3A_260 {strides = array<i32>} : memref<3x16xi32, #tpu.memory_space<vmem>>, vector<16xi32>,
            %dma_start3A = arith.constant 0 : i32
            %dma_start3A_292 = arith.constant 0 : i32
            %dma_start3A_293 = arith.constant 0 : i32
            %dma_start3A_294 = tpu.memref_slice %arg13[%dma_start3A_292, %dma_start3A_293] : memref<32x128xf32, #tpu.memory_space<vmem>> -> memref<16x128xf32, #tpu.memory_space<vmem>>
            %dma_start3A_295 = arith.constant 0 : i32
            %dma_start3A_296 = tpu.memref_slice %arg14[%dma_start3A, %dma_start3A_295] : memref<3x16xi32, #tpu.memory_space<vmem>> -> memref<1x16xi32, #tpu.memory_space<vmem>>
            %dma_start3A_297 = tpu.memref_squeeze %dma_start3A_296 : memref<1x16xi32, #tpu.memory_space<vmem>> -> memref<16xi32, #tpu.memory_space<vmem>>
            %dma_start3A_298 = arith.constant 0 : i32
            %dma_start3A_299 = arith.constant 0 : i32
            %dma_start3A_300 = tpu.memref_slice %arg5[%dma_start3A_298, %dma_start3A_299] : memref<16400x128xf32, #tpu.memory_space<hbm>> -> memref<16400x128xf32, #tpu.memory_space<hbm>>
            tpu.enqueue_indirect_dma source(%dma_start3A_294 : memref<16x128xf32, #tpu.memory_space<vmem>>) target(%dma_start3A_300 : memref<16400x128xf32, #tpu.memory_space<hbm>>) offsets(%dma_start3A_297 : memref<16xi32, #tpu.memory_space<vmem>>) semaphore(%arg18 : memref<!tpu.dma_semaphore, #tpu.memory_space<semaphore_mem>>)
            %swap3A_301 = arith.constant 1 : i32
            %swap3A_302 = arith.constant 1 : i32
            %swap3A_303 = arith.index_cast %swap3A_302 : i32 to index
            %swap3A_304 = memref.load %arg15[%swap3A_303] : memref<8xi32, #tpu.memory_space<smem>>
            memref.store %swap3A_301, %arg15[%swap3A_303] : memref<8xi32, #tpu.memory_space<smem>>
          } else {
          }
          %eq3A_274 = arith.constant 1 : i32
          %eq3A_275 = arith.cmpi eq, %shift_right_arithmetic3A_200, %eq3A_274 : i32
          %and3A_276 = arith.andi %eq3A_262, %eq3A_275 : i1
          %convert_element_type3A_277 = arith.extui %and3A_276 : i1 to i32
          %cond3A_278 = arith.constant 0 : i32
          %cond3A_279 = arith.cmpi ne, %convert_element_type3A_277, %cond3A_278 : i32
          scf.if %cond3A_279 {
            %swap3A_288 = arith.constant 1 : i32
            %swap3A_289 = arith.index_cast %swap3A_288 : i32 to index
            %swap3A_290 = arith.constant 0 : index
            %swap3A_291 = tpu.vector_load %arg14[%swap3A_289, %swap3A_290] {strides = array<i32>} : memref<3x16xi32, #tpu.memory_space<vmem>>, vector<16xi32>,
            tpu.vector_store %arg14[%swap3A_289, %swap3A_290], %select_n3A_260 {strides = array<i32>} : memref<3x16xi32, #tpu.memory_space<vmem>>, vector<16xi32>,
            %dma_start3A = arith.constant 1 : i32
            %dma_start3A_292 = arith.constant 16 : i32
            %dma_start3A_293 = arith.constant 0 : i32
            %dma_start3A_294 = tpu.memref_slice %arg13[%dma_start3A_292, %dma_start3A_293] : memref<32x128xf32, #tpu.memory_space<vmem>> -> memref<16x128xf32, #tpu.memory_space<vmem>>
            %dma_start3A_295 = arith.constant 0 : i32
            %dma_start3A_296 = tpu.memref_slice %arg14[%dma_start3A, %dma_start3A_295] : memref<3x16xi32, #tpu.memory_space<vmem>> -> memref<1x16xi32, #tpu.memory_space<vmem>>
            %dma_start3A_297 = tpu.memref_squeeze %dma_start3A_296 : memref<1x16xi32, #tpu.memory_space<vmem>> -> memref<16xi32, #tpu.memory_space<vmem>>
            %dma_start3A_298 = arith.constant 0 : i32
            %dma_start3A_299 = arith.constant 0 : i32
            %dma_start3A_300 = tpu.memref_slice %arg5[%dma_start3A_298, %dma_start3A_299] : memref<16400x128xf32, #tpu.memory_space<hbm>> -> memref<16400x128xf32, #tpu.memory_space<hbm>>
            tpu.enqueue_indirect_dma source(%dma_start3A_294 : memref<16x128xf32, #tpu.memory_space<vmem>>) target(%dma_start3A_300 : memref<16400x128xf32, #tpu.memory_space<hbm>>) offsets(%dma_start3A_297 : memref<16xi32, #tpu.memory_space<vmem>>) semaphore(%arg19 : memref<!tpu.dma_semaphore, #tpu.memory_space<semaphore_mem>>)
            %swap3A_301 = arith.constant 1 : i32
            %swap3A_302 = arith.constant 2 : i32
            %swap3A_303 = arith.index_cast %swap3A_302 : i32 to index
            %swap3A_304 = memref.load %arg15[%swap3A_303] : memref<8xi32, #tpu.memory_space<smem>>
            memref.store %swap3A_301, %arg15[%swap3A_303] : memref<8xi32, #tpu.memory_space<smem>>
          } else {
          }
          %add3A_280 = arith.constant 1 : i32
          %add3A_281 = arith.addi %get3A_185, %add3A_280 : i32
          %and3A_282 = arith.constant 31 : i32
          %and3A_283 = arith.andi %add3A_281, %and3A_282 : i32
          %swap3A_284 = arith.constant 0 : i32
          %swap3A_285 = arith.index_cast %swap3A_284 : i32 to index
          %swap3A_286 = memref.load %arg15[%swap3A_285] : memref<8xi32, #tpu.memory_space<smem>>
          memref.store %and3A_283, %arg15[%swap3A_285] : memref<8xi32, #tpu.memory_space<smem>>
          %while3A_287 = arith.constant 0 : i32
          scf.yield %while3A_287 : i32
        }
        %add3A_179 = arith.addi %while3A_147, %while3A_166#1 : i32
        %while3A_180 = arith.constant 0 : i32
        scf.yield %add3A_179, %while3A_166#1, %while3A_180 : i32, i32, i32
      }
      %add3A_112 = arith.constant 64 : i32
      %add3A_113 = arith.addi %add3A_80, %add3A_112 : i32
      %le3A_114 = arith.constant 1952 : i32
      %le3A_115 = arith.cmpi sle, %add3A_113, %le3A_114 : i32
      %convert_element_type3A_116 = arith.extui %le3A_115 : i1 to i32
      %cond3A_117 = arith.constant 0 : i32
      %cond3A_118 = arith.cmpi ne, %convert_element_type3A_116, %cond3A_117 : i32
      scf.if %cond3A_118 {
        %mul3A_147 = arith.constant 512 : i32
        %mul3A_148 = arith.muli %add3A_113, %mul3A_147 : i32
        %dma_start3A = arith.constant 0 : i32
        %dma_start3A_149 = tpu.memref_slice %arg3[%dma_start3A, %mul3A_148] : memref<64x1000000xf32, #tpu.memory_space<hbm>> -> memref<64x512xf32, #tpu.memory_space<hbm>>
        %dma_start3A_150 = arith.constant 0 : i32
        %dma_start3A_151 = tpu.memref_slice %arg3[%dma_start3A_150, %mul3A_148] : memref<64x1000000xf32, #tpu.memory_space<hbm>> -> memref<64x512xf32, #tpu.memory_space<hbm>>
        tpu.enqueue_dma source(%dma_start3A_151 : memref<64x512xf32, #tpu.memory_space<hbm>>) target(%arg11 : memref<64x512xf32, #tpu.memory_space<vmem>>) target_semaphore(%arg16 : memref<!tpu.dma_semaphore, #tpu.memory_space<semaphore_mem>>)
      } else {
      }
      %eq3A_119 = arith.constant 1953 : i32
      %eq3A_120 = arith.cmpi eq, %add3A_113, %eq3A_119 : i32
      %convert_element_type3A_121 = arith.extui %eq3A_120 : i1 to i32
      %cond3A_122 = arith.constant 0 : i32
      %cond3A_123 = arith.cmpi ne, %convert_element_type3A_121, %cond3A_122 : i32
      scf.if %cond3A_123 {
        %dma_start3A = arith.constant 0 : i32
        %dma_start3A_147 = arith.constant 0 : i32
        %dma_start3A_148 = tpu.memref_slice %arg11[%dma_start3A, %dma_start3A_147] : memref<64x512xf32, #tpu.memory_space<vmem>> -> memref<64x128xf32, #tpu.memory_space<vmem>>
        %dma_start3A_149 = arith.constant 0 : i32
        %dma_start3A_150 = arith.constant 0 : i32
        %dma_start3A_151 = tpu.memref_slice %arg11[%dma_start3A_149, %dma_start3A_150] : memref<64x512xf32, #tpu.memory_space<vmem>> -> memref<64x128xf32, #tpu.memory_space<vmem>>
        tpu.enqueue_dma source(%arg4 : memref<64x128xf32, #tpu.memory_space<hbm>>) target(%dma_start3A_151 : memref<64x128xf32, #tpu.memory_space<vmem>>) target_semaphore(%arg16 : memref<!tpu.dma_semaphore, #tpu.memory_space<semaphore_mem>>)
      } else {
      }
      %le3A_124 = arith.constant 1952 : i32
      %le3A_125 = arith.cmpi sle, %add3A_82, %le3A_124 : i32
      %convert_element_type3A_126 = arith.extui %le3A_125 : i1 to i32
      %cond3A_127 = arith.constant 0 : i32
      %cond3A_128 = arith.cmpi ne, %convert_element_type3A_126, %cond3A_127 : i32
      scf.if %cond3A_128 {
        %mul3A_147 = arith.constant 512 : i32
        %mul3A_148 = arith.muli %add3A_82, %mul3A_147 : i32
        %dma_wait3A = arith.constant 0 : i32
        %dma_wait3A_149 = tpu.memref_slice %arg3[%dma_wait3A, %mul3A_148] : memref<64x1000000xf32, #tpu.memory_space<hbm>> -> memref<64x512xf32, #tpu.memory_space<hbm>>
        %dma_wait3A_150 = arith.constant 0 : i32
        %dma_wait3A_151 = tpu.memref_slice %arg3[%dma_wait3A_150, %mul3A_148] : memref<64x1000000xf32, #tpu.memory_space<hbm>> -> memref<64x512xf32, #tpu.memory_space<hbm>>
        tpu.wait_dma2 semaphore(%arg17 : memref<!tpu.dma_semaphore, #tpu.memory_space<semaphore_mem>>) src(%dma_wait3A_151 : memref<64x512xf32, #tpu.memory_space<hbm>>) dst(%arg12 : memref<64x512xf32, #tpu.memory_space<vmem>>)
      } else {
      }
      %eq3A_129 = arith.constant 1953 : i32
      %eq3A_130 = arith.cmpi eq, %add3A_82, %eq3A_129 : i32
      %convert_element_type3A_131 = arith.extui %eq3A_130 : i1 to i32
      %cond3A_132 = arith.constant 0 : i32
      %cond3A_133 = arith.cmpi ne, %convert_element_type3A_131, %cond3A_132 : i32
      scf.if %cond3A_133 {
        %dma_wait3A = arith.constant 0 : i32
        %dma_wait3A_147 = arith.constant 0 : i32
        %dma_wait3A_148 = tpu.memref_slice %arg12[%dma_wait3A, %dma_wait3A_147] : memref<64x512xf32, #tpu.memory_space<vmem>> -> memref<64x128xf32, #tpu.memory_space<vmem>>
        %dma_wait3A_149 = arith.constant 0 : i32
        %dma_wait3A_150 = arith.constant 0 : i32
        %dma_wait3A_151 = tpu.memref_slice %arg12[%dma_wait3A_149, %dma_wait3A_150] : memref<64x512xf32, #tpu.memory_space<vmem>> -> memref<64x128xf32, #tpu.memory_space<vmem>>
        tpu.wait_dma2 semaphore(%arg17 : memref<!tpu.dma_semaphore, #tpu.memory_space<semaphore_mem>>) src(%arg4 : memref<64x128xf32, #tpu.memory_space<hbm>>) dst(%dma_wait3A_151 : memref<64x128xf32, #tpu.memory_space<vmem>>)
      } else {
      }
      %eq3A_134 = arith.constant 1953 : i32
      %eq3A_135 = arith.cmpi eq, %add3A_82, %eq3A_134 : i32
      %mul3A_136 = arith.constant 512 : i32
      %mul3A_137 = arith.muli %add3A_82, %mul3A_136 : i32
      %jit3A_138 = arith.constant 999872 : i32
      %select_n3A_139 = arith.select %eq3A_135, %jit3A_138, %mul3A_137 : i32
      %le3A_140 = arith.constant 1953 : i32
      %le3A_141 = arith.cmpi sle, %add3A_82, %le3A_140 : i32
      %while3A_142 = arith.constant 0 : i32
      %while3A_143 = arith.constant 0 : i32
      %while3A_144 = arith.constant 1 : i32
      %while3A_145:3 = scf.while (%while3A_147 = %while3A_142, %while3A_148 = %while3A_143, %while3A_149 = %while3A_144) : (i32, i32, i32) -> (i32, i32, i32) {
        %gt3A_150 = arith.constant 0 : i32
        %gt3A_151 = arith.cmpi sgt, %while3A_149, %gt3A_150 : i32
        %eq3A_152 = arith.constant 2048 : i32
        %eq3A_153 = arith.cmpi eq, %while3A_148, %eq3A_152 : i32
        %or3A = arith.ori %gt3A_151, %eq3A_153 : i1
        scf.condition(%or3A) %while3A_147, %while3A_148, %while3A_149 : i32, i32, i32
      } do {
      ^bb0(%while3A_147: i32, %while3A_148: i32, %while3A_149: i32):
        %add3A_150 = arith.constant 2 : i32
        %add3A_151 = arith.addi %shift_right_arithmetic3A_12, %add3A_150 : i32
        %jit3A_152 = arith.constant 0 : i32
        %select_n3A_153 = arith.select %le3A_141, %add3A_151, %jit3A_152 : i32
        %while3A_154 = arith.constant 0 : i32
        %while3A_155 = arith.constant 0 : i32
        %while3A_156 = arith.constant 0 : i32
        %while3A_157 = arith.subi %select_n3A_153, %while3A_154 : i32
        %while3A_158 = arith.addi %while3A_154, %while3A_157 : i32
        %while3A_159 = arith.constant 1 : i32
        %while3A_160 = arith.divsi %while3A_157, %while3A_159 : i32
        %while3A_161 = arith.muli %while3A_160, %while3A_159 : i32
        %while3A_162 = arith.addi %while3A_154, %while3A_161 : i32
        %while3A_163 = arith.constant 1 : i32
        %while3A_164:2 = scf.for %while3A_181 = %while3A_154 to %while3A_162 step %while3A_163 iter_args(%while3A_182 = %while3A_155, %while3A_183 = %while3A_156) -> (i32, i32)  : i32 {
          %mul3A_184 = arith.constant 16 : i32
          %mul3A_185 = arith.muli %while3A_181, %mul3A_184 : i32
          %get3A_186 = arith.index_cast %mul3A_185 : i32 to index
          %get3A_187 = tpu.vector_load %arg7[%get3A_186] {strides = array<i32>} : memref<16448xi32, #tpu.memory_space<vmem>>, vector<16xi32>,
          %mul3A_188 = arith.constant 16 : i32
          %mul3A_189 = arith.muli %while3A_181, %mul3A_188 : i32
          %get3A_190 = arith.index_cast %mul3A_189 : i32 to index
          %get3A_191 = tpu.vector_load %arg8[%get3A_190] {strides = array<i32>} : memref<16448xi32, #tpu.memory_space<vmem>>, vector<16xi32>,
          %shift_right_arithmetic3A_192 = arith.constant 9 : i32
          %shift_right_arithmetic3A_193 = vector.broadcast %shift_right_arithmetic3A_192 : i32 to vector<16xi32>
          %shift_right_arithmetic3A_194 = arith.shrsi %get3A_187, %shift_right_arithmetic3A_193 : vector<16xi32>
          %eq3A_195 = vector.broadcast %add3A_82 : i32 to vector<16xi32>
          %eq3A_196 = arith.cmpi eq, %shift_right_arithmetic3A_194, %eq3A_195 : vector<16xi32>
          %mul3A_197 = arith.constant 16 : i32
          %mul3A_198 = arith.muli %while3A_181, %mul3A_197 : i32
          %add3A_199 = vector.broadcast %mul3A_198 : i32 to vector<16xi32>
          %add3A_200 = arith.addi %add3A_199, %iota3A : vector<16xi32>
          %lt3A = vector.broadcast %scan3A_8 : i32 to vector<16xi32>
          %lt3A_201 = arith.cmpi slt, %add3A_200, %lt3A : vector<16xi32>
          %and3A = arith.andi %eq3A_196, %lt3A_201 : vector<16xi1>
          %convert_element_type3A_202 = arith.extui %and3A : vector<16xi1> to vector<16xi32>
          %broadcast_in_dim3A = arith.constant true
          %broadcast_in_dim3A_203 = vector.broadcast %broadcast_in_dim3A : i1 to vector<16xi1>
          %masked_cumsum3A = tpu.scan <sum>, %convert_element_type3A_202 masked %broadcast_in_dim3A_203 : vector<16xi32>, vector<16xi1> -> vector<16xi32>
          %add3A_204 = vector.broadcast %while3A_182 : i32 to vector<16xi32>
          %add3A_205 = arith.addi %add3A_204, %masked_cumsum3A : vector<16xi32>
          %sub3A = arith.constant 1 : i32
          %sub3A_206 = vector.broadcast %sub3A : i32 to vector<16xi32>
          %sub3A_207 = arith.subi %add3A_205, %sub3A_206 : vector<16xi32>
          %ge3A = vector.broadcast %while3A_147 : i32 to vector<16xi32>
          %ge3A_208 = arith.cmpi sge, %sub3A_207, %ge3A : vector<16xi32>
          %and3A_209 = arith.andi %and3A, %ge3A_208 : vector<16xi1>
          %add3A_210 = arith.constant 2048 : i32
          %add3A_211 = arith.addi %while3A_147, %add3A_210 : i32
          %lt3A_212 = vector.broadcast %add3A_211 : i32 to vector<16xi32>
          %lt3A_213 = arith.cmpi slt, %sub3A_207, %lt3A_212 : vector<16xi32>
          %and3A_214 = arith.andi %and3A_209, %lt3A_213 : vector<16xi1>
          %sub3A_215 = vector.broadcast %select_n3A_139 : i32 to vector<16xi32>
          %sub3A_216 = arith.subi %get3A_187, %sub3A_215 : vector<16xi32>
          %swap3A_217 = arith.index_cast %while3A_183 : i32 to index
          %swap3A_218 = tpu.vector_load %arg9[%swap3A_217] masked %and3A_214 {strides = array<i32>} : memref<2064xi32, #tpu.memory_space<vmem>>, vector<16xi32>, vector<16xi1>
          tpu.vector_store %arg9[%swap3A_217], %sub3A_216 masked %and3A_214 {strides = array<i32>} : memref<2064xi32, #tpu.memory_space<vmem>>, vector<16xi32>, vector<16xi1>
          %swap3A_219 = arith.index_cast %while3A_183 : i32 to index
          %swap3A_220 = tpu.vector_load %arg10[%swap3A_219] masked %and3A_214 {strides = array<i32>} : memref<2064xi32, #tpu.memory_space<vmem>>, vector<16xi32>, vector<16xi1>
          tpu.vector_store %arg10[%swap3A_219], %get3A_191 masked %and3A_214 {strides = array<i32>} : memref<2064xi32, #tpu.memory_space<vmem>>, vector<16xi32>, vector<16xi1>
          %reduce_sum3A = arith.constant true
          %reduce_sum3A_221 = vector.broadcast %reduce_sum3A : i1 to vector<16xi1>
          %reduce_sum3A_222 = tpu.scan <sum>, %convert_element_type3A_202 masked %reduce_sum3A_221 : vector<16xi32>, vector<16xi1> -> vector<16xi32>
          %reduce_sum3A_223 = vector.extract %reduce_sum3A_222[15] : i32 from vector<16xi32>
          %add3A_224 = arith.addi %while3A_182, %reduce_sum3A_223 : i32
          %convert_element_type3A_225 = arith.extui %and3A_214 : vector<16xi1> to vector<16xi32>
          %reduce_sum3A_226 = arith.constant true
          %reduce_sum3A_227 = vector.broadcast %reduce_sum3A_226 : i1 to vector<16xi1>
          %reduce_sum3A_228 = tpu.scan <sum>, %convert_element_type3A_225 masked %reduce_sum3A_227 : vector<16xi32>, vector<16xi1> -> vector<16xi32>
          %reduce_sum3A_229 = vector.extract %reduce_sum3A_228[15] : i32 from vector<16xi32>
          %add3A_230 = arith.addi %while3A_183, %reduce_sum3A_229 : i32
          scf.yield %add3A_224, %add3A_230 : i32, i32
        }
        %while3A_165 = arith.constant 1 : i32
        %while3A_166:2 = scf.for %while3A_181 = %while3A_162 to %while3A_158 step %while3A_165 iter_args(%while3A_182 = %while3A_164#0, %while3A_183 = %while3A_164#1) -> (i32, i32)  : i32 {
          %mul3A_184 = arith.constant 16 : i32
          %mul3A_185 = arith.muli %while3A_181, %mul3A_184 : i32
          %get3A_186 = arith.index_cast %mul3A_185 : i32 to index
          %get3A_187 = tpu.vector_load %arg7[%get3A_186] {strides = array<i32>} : memref<16448xi32, #tpu.memory_space<vmem>>, vector<16xi32>,
          %mul3A_188 = arith.constant 16 : i32
          %mul3A_189 = arith.muli %while3A_181, %mul3A_188 : i32
          %get3A_190 = arith.index_cast %mul3A_189 : i32 to index
          %get3A_191 = tpu.vector_load %arg8[%get3A_190] {strides = array<i32>} : memref<16448xi32, #tpu.memory_space<vmem>>, vector<16xi32>,
          %shift_right_arithmetic3A_192 = arith.constant 9 : i32
          %shift_right_arithmetic3A_193 = vector.broadcast %shift_right_arithmetic3A_192 : i32 to vector<16xi32>
          %shift_right_arithmetic3A_194 = arith.shrsi %get3A_187, %shift_right_arithmetic3A_193 : vector<16xi32>
          %eq3A_195 = vector.broadcast %add3A_82 : i32 to vector<16xi32>
          %eq3A_196 = arith.cmpi eq, %shift_right_arithmetic3A_194, %eq3A_195 : vector<16xi32>
          %mul3A_197 = arith.constant 16 : i32
          %mul3A_198 = arith.muli %while3A_181, %mul3A_197 : i32
          %add3A_199 = vector.broadcast %mul3A_198 : i32 to vector<16xi32>
          %add3A_200 = arith.addi %add3A_199, %iota3A : vector<16xi32>
          %lt3A = vector.broadcast %scan3A_8 : i32 to vector<16xi32>
          %lt3A_201 = arith.cmpi slt, %add3A_200, %lt3A : vector<16xi32>
          %and3A = arith.andi %eq3A_196, %lt3A_201 : vector<16xi1>
          %convert_element_type3A_202 = arith.extui %and3A : vector<16xi1> to vector<16xi32>
          %broadcast_in_dim3A = arith.constant true
          %broadcast_in_dim3A_203 = vector.broadcast %broadcast_in_dim3A : i1 to vector<16xi1>
          %masked_cumsum3A = tpu.scan <sum>, %convert_element_type3A_202 masked %broadcast_in_dim3A_203 : vector<16xi32>, vector<16xi1> -> vector<16xi32>
          %add3A_204 = vector.broadcast %while3A_182 : i32 to vector<16xi32>
          %add3A_205 = arith.addi %add3A_204, %masked_cumsum3A : vector<16xi32>
          %sub3A = arith.constant 1 : i32
          %sub3A_206 = vector.broadcast %sub3A : i32 to vector<16xi32>
          %sub3A_207 = arith.subi %add3A_205, %sub3A_206 : vector<16xi32>
          %ge3A = vector.broadcast %while3A_147 : i32 to vector<16xi32>
          %ge3A_208 = arith.cmpi sge, %sub3A_207, %ge3A : vector<16xi32>
          %and3A_209 = arith.andi %and3A, %ge3A_208 : vector<16xi1>
          %add3A_210 = arith.constant 2048 : i32
          %add3A_211 = arith.addi %while3A_147, %add3A_210 : i32
          %lt3A_212 = vector.broadcast %add3A_211 : i32 to vector<16xi32>
          %lt3A_213 = arith.cmpi slt, %sub3A_207, %lt3A_212 : vector<16xi32>
          %and3A_214 = arith.andi %and3A_209, %lt3A_213 : vector<16xi1>
          %sub3A_215 = vector.broadcast %select_n3A_139 : i32 to vector<16xi32>
          %sub3A_216 = arith.subi %get3A_187, %sub3A_215 : vector<16xi32>
          %swap3A_217 = arith.index_cast %while3A_183 : i32 to index
          %swap3A_218 = tpu.vector_load %arg9[%swap3A_217] masked %and3A_214 {strides = array<i32>} : memref<2064xi32, #tpu.memory_space<vmem>>, vector<16xi32>, vector<16xi1>
          tpu.vector_store %arg9[%swap3A_217], %sub3A_216 masked %and3A_214 {strides = array<i32>} : memref<2064xi32, #tpu.memory_space<vmem>>, vector<16xi32>, vector<16xi1>
          %swap3A_219 = arith.index_cast %while3A_183 : i32 to index
          %swap3A_220 = tpu.vector_load %arg10[%swap3A_219] masked %and3A_214 {strides = array<i32>} : memref<2064xi32, #tpu.memory_space<vmem>>, vector<16xi32>, vector<16xi1>
          tpu.vector_store %arg10[%swap3A_219], %get3A_191 masked %and3A_214 {strides = array<i32>} : memref<2064xi32, #tpu.memory_space<vmem>>, vector<16xi32>, vector<16xi1>
          %reduce_sum3A = arith.constant true
          %reduce_sum3A_221 = vector.broadcast %reduce_sum3A : i1 to vector<16xi1>
          %reduce_sum3A_222 = tpu.scan <sum>, %convert_element_type3A_202 masked %reduce_sum3A_221 : vector<16xi32>, vector<16xi1> -> vector<16xi32>
          %reduce_sum3A_223 = vector.extract %reduce_sum3A_222[15] : i32 from vector<16xi32>
          %add3A_224 = arith.addi %while3A_182, %reduce_sum3A_223 : i32
          %convert_element_type3A_225 = arith.extui %and3A_214 : vector<16xi1> to vector<16xi32>
          %reduce_sum3A_226 = arith.constant true
          %reduce_sum3A_227 = vector.broadcast %reduce_sum3A_226 : i1 to vector<16xi1>
          %reduce_sum3A_228 = tpu.scan <sum>, %convert_element_type3A_225 masked %reduce_sum3A_227 : vector<16xi32>, vector<16xi1> -> vector<16xi32>
          %reduce_sum3A_229 = vector.extract %reduce_sum3A_228[15] : i32 from vector<16xi32>
          %add3A_230 = arith.addi %while3A_183, %reduce_sum3A_229 : i32
          scf.yield %add3A_224, %add3A_230 : i32, i32
        }
        %while3A_167 = arith.constant 0 : i32
        %while3A_168 = arith.constant 0 : i32
        %while3A_169 = arith.subi %while3A_166#1, %while3A_167 : i32
        %while3A_170 = arith.addi %while3A_167, %while3A_169 : i32
        %while3A_171 = arith.constant 1 : i32
        %while3A_172 = arith.divsi %while3A_169, %while3A_171 : i32
        %while3A_173 = arith.muli %while3A_172, %while3A_171 : i32
        %while3A_174 = arith.addi %while3A_167, %while3A_173 : i32
        %while3A_175 = arith.constant 1 : i32
        %while3A_176 = scf.for %while3A_181 = %while3A_167 to %while3A_174 step %while3A_175 iter_args(%while3A_182 = %while3A_168) -> (i32)  : i32 {
          %get3A_183 = arith.constant 0 : i32
          %get3A_184 = arith.index_cast %get3A_183 : i32 to index
          %get3A_185 = memref.load %arg15[%get3A_184] : memref<8xi32, #tpu.memory_space<smem>>
          %get3A_186 = arith.constant 1 : i32
          %get3A_187 = arith.index_cast %get3A_186 : i32 to index
          %get3A_188 = memref.load %arg15[%get3A_187] : memref<8xi32, #tpu.memory_space<smem>>
          %get3A_189 = arith.constant 2 : i32
          %get3A_190 = arith.index_cast %get3A_189 : i32 to index
          %get3A_191 = memref.load %arg15[%get3A_190] : memref<8xi32, #tpu.memory_space<smem>>
          %get3A_192 = arith.index_cast %while3A_181 : i32 to index
          %get3A_193 = tpu.vector_load %arg9[%get3A_192] {strides = array<i32>} : memref<2064xi32, #tpu.memory_space<vmem>>, vector<16xi32>,
          %get3A_194 = arith.index_cast %while3A_181 : i32 to index
          %get3A_195 = tpu.vector_load %arg10[%get3A_194] {strides = array<i32>} : memref<2064xi32, #tpu.memory_space<vmem>>, vector<16xi32>,
          %slice3A = vector.extract_strided_slice %get3A_193 {offsets = [0], sizes = [1], strides = [1]} : vector<16xi32> to vector<1xi32>
          %squeeze3A = vector.extract %slice3A[0] : i32 from vector<1xi32>
          %broadcast_in_dim3A = vector.broadcast %squeeze3A : i32 to vector<16xi32>
          %slice3A_196 = vector.extract_strided_slice %get3A_195 {offsets = [0], sizes = [1], strides = [1]} : vector<16xi32> to vector<1xi32>
          %squeeze3A_197 = vector.extract %slice3A_196[0] : i32 from vector<1xi32>
          %and3A = arith.constant 15 : i32
          %and3A_198 = arith.andi %get3A_185, %and3A : i32
          %shift_right_arithmetic3A_199 = arith.constant 4 : i32
          %shift_right_arithmetic3A_200 = arith.shrsi %get3A_185, %shift_right_arithmetic3A_199 : i32
          %eq3A_201 = arith.constant 0 : i32
          %eq3A_202 = arith.cmpi eq, %and3A_198, %eq3A_201 : i32
          %eq3A_203 = arith.constant 0 : i32
          %eq3A_204 = arith.cmpi eq, %shift_right_arithmetic3A_200, %eq3A_203 : i32
          %and3A_205 = arith.andi %eq3A_202, %eq3A_204 : i1
          %gt3A_206 = arith.constant 0 : i32
          %gt3A_207 = arith.cmpi sgt, %get3A_188, %gt3A_206 : i32
          %and3A_208 = arith.andi %and3A_205, %gt3A_207 : i1
          %eq3A_209 = arith.constant 0 : i32
          %eq3A_210 = arith.cmpi eq, %and3A_198, %eq3A_209 : i32
          %eq3A_211 = arith.constant 1 : i32
          %eq3A_212 = arith.cmpi eq, %shift_right_arithmetic3A_200, %eq3A_211 : i32
          %and3A_213 = arith.andi %eq3A_210, %eq3A_212 : i1
          %gt3A_214 = arith.constant 0 : i32
          %gt3A_215 = arith.cmpi sgt, %get3A_191, %gt3A_214 : i32
          %and3A_216 = arith.andi %and3A_213, %gt3A_215 : i1
          %convert_element_type3A_217 = arith.extui %and3A_208 : i1 to i32
          %cond3A_218 = arith.constant 0 : i32
          %cond3A_219 = arith.cmpi ne, %convert_element_type3A_217, %cond3A_218 : i32
          scf.if %cond3A_219 {
            %dma_wait3A = arith.constant 0 : i32
            %dma_wait3A_288 = arith.constant 0 : i32
            %dma_wait3A_289 = tpu.memref_slice %arg13[%dma_wait3A, %dma_wait3A_288] : memref<32x128xf32, #tpu.memory_space<vmem>> -> memref<16x128xf32, #tpu.memory_space<vmem>>
            %dma_wait3A_290 = arith.constant 0 : i32
            %dma_wait3A_291 = arith.constant 0 : i32
            %dma_wait3A_292 = tpu.memref_slice %arg5[%dma_wait3A_290, %dma_wait3A_291] : memref<16400x128xf32, #tpu.memory_space<hbm>> -> memref<16x128xf32, #tpu.memory_space<hbm>>
            %dma_wait3A_293 = arith.constant 0 : i32
            %dma_wait3A_294 = arith.constant 0 : i32
            %dma_wait3A_295 = tpu.memref_slice %arg13[%dma_wait3A_293, %dma_wait3A_294] : memref<32x128xf32, #tpu.memory_space<vmem>> -> memref<16x128xf32, #tpu.memory_space<vmem>>
            %dma_wait3A_296 = arith.constant 0 : i32
            %dma_wait3A_297 = arith.constant 0 : i32
            %dma_wait3A_298 = tpu.memref_slice %arg5[%dma_wait3A_296, %dma_wait3A_297] : memref<16400x128xf32, #tpu.memory_space<hbm>> -> memref<16x128xf32, #tpu.memory_space<hbm>>
            tpu.wait_dma2 semaphore(%arg18 : memref<!tpu.dma_semaphore, #tpu.memory_space<semaphore_mem>>) src(%dma_wait3A_298 : memref<16x128xf32, #tpu.memory_space<hbm>>) dst(%dma_wait3A_295 : memref<16x128xf32, #tpu.memory_space<vmem>>)
            %swap3A_299 = arith.constant 0 : i32
            %swap3A_300 = arith.constant 1 : i32
            %swap3A_301 = arith.index_cast %swap3A_300 : i32 to index
            %swap3A_302 = memref.load %arg15[%swap3A_301] : memref<8xi32, #tpu.memory_space<smem>>
            memref.store %swap3A_299, %arg15[%swap3A_301] : memref<8xi32, #tpu.memory_space<smem>>
          } else {
          }
          %convert_element_type3A_220 = arith.extui %and3A_216 : i1 to i32
          %cond3A_221 = arith.constant 0 : i32
          %cond3A_222 = arith.cmpi ne, %convert_element_type3A_220, %cond3A_221 : i32
          scf.if %cond3A_222 {
            %dma_wait3A = arith.constant 16 : i32
            %dma_wait3A_288 = arith.constant 0 : i32
            %dma_wait3A_289 = tpu.memref_slice %arg13[%dma_wait3A, %dma_wait3A_288] : memref<32x128xf32, #tpu.memory_space<vmem>> -> memref<16x128xf32, #tpu.memory_space<vmem>>
            %dma_wait3A_290 = arith.constant 0 : i32
            %dma_wait3A_291 = arith.constant 0 : i32
            %dma_wait3A_292 = tpu.memref_slice %arg5[%dma_wait3A_290, %dma_wait3A_291] : memref<16400x128xf32, #tpu.memory_space<hbm>> -> memref<16x128xf32, #tpu.memory_space<hbm>>
            %dma_wait3A_293 = arith.constant 16 : i32
            %dma_wait3A_294 = arith.constant 0 : i32
            %dma_wait3A_295 = tpu.memref_slice %arg13[%dma_wait3A_293, %dma_wait3A_294] : memref<32x128xf32, #tpu.memory_space<vmem>> -> memref<16x128xf32, #tpu.memory_space<vmem>>
            %dma_wait3A_296 = arith.constant 0 : i32
            %dma_wait3A_297 = arith.constant 0 : i32
            %dma_wait3A_298 = tpu.memref_slice %arg5[%dma_wait3A_296, %dma_wait3A_297] : memref<16400x128xf32, #tpu.memory_space<hbm>> -> memref<16x128xf32, #tpu.memory_space<hbm>>
            tpu.wait_dma2 semaphore(%arg19 : memref<!tpu.dma_semaphore, #tpu.memory_space<semaphore_mem>>) src(%dma_wait3A_298 : memref<16x128xf32, #tpu.memory_space<hbm>>) dst(%dma_wait3A_295 : memref<16x128xf32, #tpu.memory_space<vmem>>)
            %swap3A_299 = arith.constant 0 : i32
            %swap3A_300 = arith.constant 2 : i32
            %swap3A_301 = arith.index_cast %swap3A_300 : i32 to index
            %swap3A_302 = memref.load %arg15[%swap3A_301] : memref<8xi32, #tpu.memory_space<smem>>
            memref.store %swap3A_299, %arg15[%swap3A_301] : memref<8xi32, #tpu.memory_space<smem>>
          } else {
          }
          %and3A_223 = arith.constant 31 : i32
          %and3A_224 = arith.andi %get3A_185, %and3A_223 : i32
          %broadcast_in_dim3A_225 = vector.broadcast %and3A_224 : i32 to vector<16xi32>
          %add3A_226 = arith.constant 0 : i32
          %add3A_227 = vector.broadcast %add3A_226 : i32 to vector<16xi32>
          %add3A_228 = arith.addi %add3A_227, %iota3A : vector<16xi32>
          %gather3A = tpu.vector_load_idx %arg12[%add3A_228, %broadcast_in_dim3A] : memref<64x512xf32, #tpu.memory_space<vmem>>[vector<16xi32>, vector<16xi32>], vector<16xf32>,
          %add3A_229 = arith.constant 0 : i32
          %add3A_230 = vector.broadcast %add3A_229 : i32 to vector<16xi32>
          %add3A_231 = arith.addi %add3A_230, %iota3A : vector<16xi32>
          tpu.vector_store_idx %arg13[%broadcast_in_dim3A_225, %add3A_231], %gather3A : memref<32x128xf32, #tpu.memory_space<vmem>>[vector<16xi32>, vector<16xi32>], vector<16xf32>,
          %add3A_232 = arith.constant 16 : i32
          %add3A_233 = vector.broadcast %add3A_232 : i32 to vector<16xi32>
          %add3A_234 = arith.addi %add3A_233, %iota3A : vector<16xi32>
          %gather3A_235 = tpu.vector_load_idx %arg12[%add3A_234, %broadcast_in_dim3A] : memref<64x512xf32, #tpu.memory_space<vmem>>[vector<16xi32>, vector<16xi32>], vector<16xf32>,
          %add3A_236 = arith.constant 16 : i32
          %add3A_237 = vector.broadcast %add3A_236 : i32 to vector<16xi32>
          %add3A_238 = arith.addi %add3A_237, %iota3A : vector<16xi32>
          tpu.vector_store_idx %arg13[%broadcast_in_dim3A_225, %add3A_238], %gather3A_235 : memref<32x128xf32, #tpu.memory_space<vmem>>[vector<16xi32>, vector<16xi32>], vector<16xf32>,
          %add3A_239 = arith.constant 32 : i32
          %add3A_240 = vector.broadcast %add3A_239 : i32 to vector<16xi32>
          %add3A_241 = arith.addi %add3A_240, %iota3A : vector<16xi32>
          %gather3A_242 = tpu.vector_load_idx %arg12[%add3A_241, %broadcast_in_dim3A] : memref<64x512xf32, #tpu.memory_space<vmem>>[vector<16xi32>, vector<16xi32>], vector<16xf32>,
          %add3A_243 = arith.constant 32 : i32
          %add3A_244 = vector.broadcast %add3A_243 : i32 to vector<16xi32>
          %add3A_245 = arith.addi %add3A_244, %iota3A : vector<16xi32>
          tpu.vector_store_idx %arg13[%broadcast_in_dim3A_225, %add3A_245], %gather3A_242 : memref<32x128xf32, #tpu.memory_space<vmem>>[vector<16xi32>, vector<16xi32>], vector<16xf32>,
          %add3A_246 = arith.constant 48 : i32
          %add3A_247 = vector.broadcast %add3A_246 : i32 to vector<16xi32>
          %add3A_248 = arith.addi %add3A_247, %iota3A : vector<16xi32>
          %gather3A_249 = tpu.vector_load_idx %arg12[%add3A_248, %broadcast_in_dim3A] : memref<64x512xf32, #tpu.memory_space<vmem>>[vector<16xi32>, vector<16xi32>], vector<16xf32>,
          %add3A_250 = arith.constant 48 : i32
          %add3A_251 = vector.broadcast %add3A_250 : i32 to vector<16xi32>
          %add3A_252 = arith.addi %add3A_251, %iota3A : vector<16xi32>
          tpu.vector_store_idx %arg13[%broadcast_in_dim3A_225, %add3A_252], %gather3A_249 : memref<32x128xf32, #tpu.memory_space<vmem>>[vector<16xi32>, vector<16xi32>], vector<16xf32>,
          %get3A_253 = arith.constant 2 : i32
          %get3A_254 = arith.index_cast %get3A_253 : i32 to index
          %get3A_255 = arith.constant 0 : index
          %get3A_256 = tpu.vector_load %arg14[%get3A_254, %get3A_255] {strides = array<i32>} : memref<3x16xi32, #tpu.memory_space<vmem>>, vector<16xi32>,
          %eq3A_257 = vector.broadcast %and3A_198 : i32 to vector<16xi32>
          %eq3A_258 = arith.cmpi eq, %iota3A, %eq3A_257 : vector<16xi32>
          %broadcast_in_dim3A_259 = vector.broadcast %squeeze3A_197 : i32 to vector<16xi32>
          %select_n3A_260 = arith.select %eq3A_258, %broadcast_in_dim3A_259, %get3A_256 : vector<16xi1>, vector<16xi32>
          %eq3A_261 = arith.constant 15 : i32
          %eq3A_262 = arith.cmpi eq, %and3A_198, %eq3A_261 : i32
          %select_n3A_263 = arith.select %eq3A_262, %add3A_3, %select_n3A_260 : vector<16xi32>
          %swap3A_264 = arith.constant 2 : i32
          %swap3A_265 = arith.index_cast %swap3A_264 : i32 to index
          %swap3A_266 = arith.constant 0 : index
          %swap3A_267 = tpu.vector_load %arg14[%swap3A_265, %swap3A_266] {strides = array<i32>} : memref<3x16xi32, #tpu.memory_space<vmem>>, vector<16xi32>,
          tpu.vector_store %arg14[%swap3A_265, %swap3A_266], %select_n3A_263 {strides = array<i32>} : memref<3x16xi32, #tpu.memory_space<vmem>>, vector<16xi32>,
          %eq3A_268 = arith.constant 0 : i32
          %eq3A_269 = arith.cmpi eq, %shift_right_arithmetic3A_200, %eq3A_268 : i32
          %and3A_270 = arith.andi %eq3A_262, %eq3A_269 : i1
          %convert_element_type3A_271 = arith.extui %and3A_270 : i1 to i32
          %cond3A_272 = arith.constant 0 : i32
          %cond3A_273 = arith.cmpi ne, %convert_element_type3A_271, %cond3A_272 : i32
          scf.if %cond3A_273 {
            %swap3A_288 = arith.constant 0 : i32
            %swap3A_289 = arith.index_cast %swap3A_288 : i32 to index
            %swap3A_290 = arith.constant 0 : index
            %swap3A_291 = tpu.vector_load %arg14[%swap3A_289, %swap3A_290] {strides = array<i32>} : memref<3x16xi32, #tpu.memory_space<vmem>>, vector<16xi32>,
            tpu.vector_store %arg14[%swap3A_289, %swap3A_290], %select_n3A_260 {strides = array<i32>} : memref<3x16xi32, #tpu.memory_space<vmem>>, vector<16xi32>,
            %dma_start3A = arith.constant 0 : i32
            %dma_start3A_292 = arith.constant 0 : i32
            %dma_start3A_293 = arith.constant 0 : i32
            %dma_start3A_294 = tpu.memref_slice %arg13[%dma_start3A_292, %dma_start3A_293] : memref<32x128xf32, #tpu.memory_space<vmem>> -> memref<16x128xf32, #tpu.memory_space<vmem>>
            %dma_start3A_295 = arith.constant 0 : i32
            %dma_start3A_296 = tpu.memref_slice %arg14[%dma_start3A, %dma_start3A_295] : memref<3x16xi32, #tpu.memory_space<vmem>> -> memref<1x16xi32, #tpu.memory_space<vmem>>
            %dma_start3A_297 = tpu.memref_squeeze %dma_start3A_296 : memref<1x16xi32, #tpu.memory_space<vmem>> -> memref<16xi32, #tpu.memory_space<vmem>>
            %dma_start3A_298 = arith.constant 0 : i32
            %dma_start3A_299 = arith.constant 0 : i32
            %dma_start3A_300 = tpu.memref_slice %arg5[%dma_start3A_298, %dma_start3A_299] : memref<16400x128xf32, #tpu.memory_space<hbm>> -> memref<16400x128xf32, #tpu.memory_space<hbm>>
            tpu.enqueue_indirect_dma source(%dma_start3A_294 : memref<16x128xf32, #tpu.memory_space<vmem>>) target(%dma_start3A_300 : memref<16400x128xf32, #tpu.memory_space<hbm>>) offsets(%dma_start3A_297 : memref<16xi32, #tpu.memory_space<vmem>>) semaphore(%arg18 : memref<!tpu.dma_semaphore, #tpu.memory_space<semaphore_mem>>)
            %swap3A_301 = arith.constant 1 : i32
            %swap3A_302 = arith.constant 1 : i32
            %swap3A_303 = arith.index_cast %swap3A_302 : i32 to index
            %swap3A_304 = memref.load %arg15[%swap3A_303] : memref<8xi32, #tpu.memory_space<smem>>
            memref.store %swap3A_301, %arg15[%swap3A_303] : memref<8xi32, #tpu.memory_space<smem>>
          } else {
          }
          %eq3A_274 = arith.constant 1 : i32
          %eq3A_275 = arith.cmpi eq, %shift_right_arithmetic3A_200, %eq3A_274 : i32
          %and3A_276 = arith.andi %eq3A_262, %eq3A_275 : i1
          %convert_element_type3A_277 = arith.extui %and3A_276 : i1 to i32
          %cond3A_278 = arith.constant 0 : i32
          %cond3A_279 = arith.cmpi ne, %convert_element_type3A_277, %cond3A_278 : i32
          scf.if %cond3A_279 {
            %swap3A_288 = arith.constant 1 : i32
            %swap3A_289 = arith.index_cast %swap3A_288 : i32 to index
            %swap3A_290 = arith.constant 0 : index
            %swap3A_291 = tpu.vector_load %arg14[%swap3A_289, %swap3A_290] {strides = array<i32>} : memref<3x16xi32, #tpu.memory_space<vmem>>, vector<16xi32>,
            tpu.vector_store %arg14[%swap3A_289, %swap3A_290], %select_n3A_260 {strides = array<i32>} : memref<3x16xi32, #tpu.memory_space<vmem>>, vector<16xi32>,
            %dma_start3A = arith.constant 1 : i32
            %dma_start3A_292 = arith.constant 16 : i32
            %dma_start3A_293 = arith.constant 0 : i32
            %dma_start3A_294 = tpu.memref_slice %arg13[%dma_start3A_292, %dma_start3A_293] : memref<32x128xf32, #tpu.memory_space<vmem>> -> memref<16x128xf32, #tpu.memory_space<vmem>>
            %dma_start3A_295 = arith.constant 0 : i32
            %dma_start3A_296 = tpu.memref_slice %arg14[%dma_start3A, %dma_start3A_295] : memref<3x16xi32, #tpu.memory_space<vmem>> -> memref<1x16xi32, #tpu.memory_space<vmem>>
            %dma_start3A_297 = tpu.memref_squeeze %dma_start3A_296 : memref<1x16xi32, #tpu.memory_space<vmem>> -> memref<16xi32, #tpu.memory_space<vmem>>
            %dma_start3A_298 = arith.constant 0 : i32
            %dma_start3A_299 = arith.constant 0 : i32
            %dma_start3A_300 = tpu.memref_slice %arg5[%dma_start3A_298, %dma_start3A_299] : memref<16400x128xf32, #tpu.memory_space<hbm>> -> memref<16400x128xf32, #tpu.memory_space<hbm>>
            tpu.enqueue_indirect_dma source(%dma_start3A_294 : memref<16x128xf32, #tpu.memory_space<vmem>>) target(%dma_start3A_300 : memref<16400x128xf32, #tpu.memory_space<hbm>>) offsets(%dma_start3A_297 : memref<16xi32, #tpu.memory_space<vmem>>) semaphore(%arg19 : memref<!tpu.dma_semaphore, #tpu.memory_space<semaphore_mem>>)
            %swap3A_301 = arith.constant 1 : i32
            %swap3A_302 = arith.constant 2 : i32
            %swap3A_303 = arith.index_cast %swap3A_302 : i32 to index
            %swap3A_304 = memref.load %arg15[%swap3A_303] : memref<8xi32, #tpu.memory_space<smem>>
            memref.store %swap3A_301, %arg15[%swap3A_303] : memref<8xi32, #tpu.memory_space<smem>>
          } else {
          }
          %add3A_280 = arith.constant 1 : i32
          %add3A_281 = arith.addi %get3A_185, %add3A_280 : i32
          %and3A_282 = arith.constant 31 : i32
          %and3A_283 = arith.andi %add3A_281, %and3A_282 : i32
          %swap3A_284 = arith.constant 0 : i32
          %swap3A_285 = arith.index_cast %swap3A_284 : i32 to index
          %swap3A_286 = memref.load %arg15[%swap3A_285] : memref<8xi32, #tpu.memory_space<smem>>
          memref.store %and3A_283, %arg15[%swap3A_285] : memref<8xi32, #tpu.memory_space<smem>>
          %while3A_287 = arith.constant 0 : i32
          scf.yield %while3A_287 : i32
        }
        %while3A_177 = arith.constant 1 : i32
        %while3A_178 = scf.for %while3A_181 = %while3A_174 to %while3A_170 step %while3A_177 iter_args(%while3A_182 = %while3A_176) -> (i32)  : i32 {
          %get3A_183 = arith.constant 0 : i32
          %get3A_184 = arith.index_cast %get3A_183 : i32 to index
          %get3A_185 = memref.load %arg15[%get3A_184] : memref<8xi32, #tpu.memory_space<smem>>
          %get3A_186 = arith.constant 1 : i32
          %get3A_187 = arith.index_cast %get3A_186 : i32 to index
          %get3A_188 = memref.load %arg15[%get3A_187] : memref<8xi32, #tpu.memory_space<smem>>
          %get3A_189 = arith.constant 2 : i32
          %get3A_190 = arith.index_cast %get3A_189 : i32 to index
          %get3A_191 = memref.load %arg15[%get3A_190] : memref<8xi32, #tpu.memory_space<smem>>
          %get3A_192 = arith.index_cast %while3A_181 : i32 to index
          %get3A_193 = tpu.vector_load %arg9[%get3A_192] {strides = array<i32>} : memref<2064xi32, #tpu.memory_space<vmem>>, vector<16xi32>,
          %get3A_194 = arith.index_cast %while3A_181 : i32 to index
          %get3A_195 = tpu.vector_load %arg10[%get3A_194] {strides = array<i32>} : memref<2064xi32, #tpu.memory_space<vmem>>, vector<16xi32>,
          %slice3A = vector.extract_strided_slice %get3A_193 {offsets = [0], sizes = [1], strides = [1]} : vector<16xi32> to vector<1xi32>
          %squeeze3A = vector.extract %slice3A[0] : i32 from vector<1xi32>
          %broadcast_in_dim3A = vector.broadcast %squeeze3A : i32 to vector<16xi32>
          %slice3A_196 = vector.extract_strided_slice %get3A_195 {offsets = [0], sizes = [1], strides = [1]} : vector<16xi32> to vector<1xi32>
          %squeeze3A_197 = vector.extract %slice3A_196[0] : i32 from vector<1xi32>
          %and3A = arith.constant 15 : i32
          %and3A_198 = arith.andi %get3A_185, %and3A : i32
          %shift_right_arithmetic3A_199 = arith.constant 4 : i32
          %shift_right_arithmetic3A_200 = arith.shrsi %get3A_185, %shift_right_arithmetic3A_199 : i32
          %eq3A_201 = arith.constant 0 : i32
          %eq3A_202 = arith.cmpi eq, %and3A_198, %eq3A_201 : i32
          %eq3A_203 = arith.constant 0 : i32
          %eq3A_204 = arith.cmpi eq, %shift_right_arithmetic3A_200, %eq3A_203 : i32
          %and3A_205 = arith.andi %eq3A_202, %eq3A_204 : i1
          %gt3A_206 = arith.constant 0 : i32
          %gt3A_207 = arith.cmpi sgt, %get3A_188, %gt3A_206 : i32
          %and3A_208 = arith.andi %and3A_205, %gt3A_207 : i1
          %eq3A_209 = arith.constant 0 : i32
          %eq3A_210 = arith.cmpi eq, %and3A_198, %eq3A_209 : i32
          %eq3A_211 = arith.constant 1 : i32
          %eq3A_212 = arith.cmpi eq, %shift_right_arithmetic3A_200, %eq3A_211 : i32
          %and3A_213 = arith.andi %eq3A_210, %eq3A_212 : i1
          %gt3A_214 = arith.constant 0 : i32
          %gt3A_215 = arith.cmpi sgt, %get3A_191, %gt3A_214 : i32
          %and3A_216 = arith.andi %and3A_213, %gt3A_215 : i1
          %convert_element_type3A_217 = arith.extui %and3A_208 : i1 to i32
          %cond3A_218 = arith.constant 0 : i32
          %cond3A_219 = arith.cmpi ne, %convert_element_type3A_217, %cond3A_218 : i32
          scf.if %cond3A_219 {
            %dma_wait3A = arith.constant 0 : i32
            %dma_wait3A_288 = arith.constant 0 : i32
            %dma_wait3A_289 = tpu.memref_slice %arg13[%dma_wait3A, %dma_wait3A_288] : memref<32x128xf32, #tpu.memory_space<vmem>> -> memref<16x128xf32, #tpu.memory_space<vmem>>
            %dma_wait3A_290 = arith.constant 0 : i32
            %dma_wait3A_291 = arith.constant 0 : i32
            %dma_wait3A_292 = tpu.memref_slice %arg5[%dma_wait3A_290, %dma_wait3A_291] : memref<16400x128xf32, #tpu.memory_space<hbm>> -> memref<16x128xf32, #tpu.memory_space<hbm>>
            %dma_wait3A_293 = arith.constant 0 : i32
            %dma_wait3A_294 = arith.constant 0 : i32
            %dma_wait3A_295 = tpu.memref_slice %arg13[%dma_wait3A_293, %dma_wait3A_294] : memref<32x128xf32, #tpu.memory_space<vmem>> -> memref<16x128xf32, #tpu.memory_space<vmem>>
            %dma_wait3A_296 = arith.constant 0 : i32
            %dma_wait3A_297 = arith.constant 0 : i32
            %dma_wait3A_298 = tpu.memref_slice %arg5[%dma_wait3A_296, %dma_wait3A_297] : memref<16400x128xf32, #tpu.memory_space<hbm>> -> memref<16x128xf32, #tpu.memory_space<hbm>>
            tpu.wait_dma2 semaphore(%arg18 : memref<!tpu.dma_semaphore, #tpu.memory_space<semaphore_mem>>) src(%dma_wait3A_298 : memref<16x128xf32, #tpu.memory_space<hbm>>) dst(%dma_wait3A_295 : memref<16x128xf32, #tpu.memory_space<vmem>>)
            %swap3A_299 = arith.constant 0 : i32
            %swap3A_300 = arith.constant 1 : i32
            %swap3A_301 = arith.index_cast %swap3A_300 : i32 to index
            %swap3A_302 = memref.load %arg15[%swap3A_301] : memref<8xi32, #tpu.memory_space<smem>>
            memref.store %swap3A_299, %arg15[%swap3A_301] : memref<8xi32, #tpu.memory_space<smem>>
          } else {
          }
          %convert_element_type3A_220 = arith.extui %and3A_216 : i1 to i32
          %cond3A_221 = arith.constant 0 : i32
          %cond3A_222 = arith.cmpi ne, %convert_element_type3A_220, %cond3A_221 : i32
          scf.if %cond3A_222 {
            %dma_wait3A = arith.constant 16 : i32
            %dma_wait3A_288 = arith.constant 0 : i32
            %dma_wait3A_289 = tpu.memref_slice %arg13[%dma_wait3A, %dma_wait3A_288] : memref<32x128xf32, #tpu.memory_space<vmem>> -> memref<16x128xf32, #tpu.memory_space<vmem>>
            %dma_wait3A_290 = arith.constant 0 : i32
            %dma_wait3A_291 = arith.constant 0 : i32
            %dma_wait3A_292 = tpu.memref_slice %arg5[%dma_wait3A_290, %dma_wait3A_291] : memref<16400x128xf32, #tpu.memory_space<hbm>> -> memref<16x128xf32, #tpu.memory_space<hbm>>
            %dma_wait3A_293 = arith.constant 16 : i32
            %dma_wait3A_294 = arith.constant 0 : i32
            %dma_wait3A_295 = tpu.memref_slice %arg13[%dma_wait3A_293, %dma_wait3A_294] : memref<32x128xf32, #tpu.memory_space<vmem>> -> memref<16x128xf32, #tpu.memory_space<vmem>>
            %dma_wait3A_296 = arith.constant 0 : i32
            %dma_wait3A_297 = arith.constant 0 : i32
            %dma_wait3A_298 = tpu.memref_slice %arg5[%dma_wait3A_296, %dma_wait3A_297] : memref<16400x128xf32, #tpu.memory_space<hbm>> -> memref<16x128xf32, #tpu.memory_space<hbm>>
            tpu.wait_dma2 semaphore(%arg19 : memref<!tpu.dma_semaphore, #tpu.memory_space<semaphore_mem>>) src(%dma_wait3A_298 : memref<16x128xf32, #tpu.memory_space<hbm>>) dst(%dma_wait3A_295 : memref<16x128xf32, #tpu.memory_space<vmem>>)
            %swap3A_299 = arith.constant 0 : i32
            %swap3A_300 = arith.constant 2 : i32
            %swap3A_301 = arith.index_cast %swap3A_300 : i32 to index
            %swap3A_302 = memref.load %arg15[%swap3A_301] : memref<8xi32, #tpu.memory_space<smem>>
            memref.store %swap3A_299, %arg15[%swap3A_301] : memref<8xi32, #tpu.memory_space<smem>>
          } else {
          }
          %and3A_223 = arith.constant 31 : i32
          %and3A_224 = arith.andi %get3A_185, %and3A_223 : i32
          %broadcast_in_dim3A_225 = vector.broadcast %and3A_224 : i32 to vector<16xi32>
          %add3A_226 = arith.constant 0 : i32
          %add3A_227 = vector.broadcast %add3A_226 : i32 to vector<16xi32>
          %add3A_228 = arith.addi %add3A_227, %iota3A : vector<16xi32>
          %gather3A = tpu.vector_load_idx %arg12[%add3A_228, %broadcast_in_dim3A] : memref<64x512xf32, #tpu.memory_space<vmem>>[vector<16xi32>, vector<16xi32>], vector<16xf32>,
          %add3A_229 = arith.constant 0 : i32
          %add3A_230 = vector.broadcast %add3A_229 : i32 to vector<16xi32>
          %add3A_231 = arith.addi %add3A_230, %iota3A : vector<16xi32>
          tpu.vector_store_idx %arg13[%broadcast_in_dim3A_225, %add3A_231], %gather3A : memref<32x128xf32, #tpu.memory_space<vmem>>[vector<16xi32>, vector<16xi32>], vector<16xf32>,
          %add3A_232 = arith.constant 16 : i32
          %add3A_233 = vector.broadcast %add3A_232 : i32 to vector<16xi32>
          %add3A_234 = arith.addi %add3A_233, %iota3A : vector<16xi32>
          %gather3A_235 = tpu.vector_load_idx %arg12[%add3A_234, %broadcast_in_dim3A] : memref<64x512xf32, #tpu.memory_space<vmem>>[vector<16xi32>, vector<16xi32>], vector<16xf32>,
          %add3A_236 = arith.constant 16 : i32
          %add3A_237 = vector.broadcast %add3A_236 : i32 to vector<16xi32>
          %add3A_238 = arith.addi %add3A_237, %iota3A : vector<16xi32>
          tpu.vector_store_idx %arg13[%broadcast_in_dim3A_225, %add3A_238], %gather3A_235 : memref<32x128xf32, #tpu.memory_space<vmem>>[vector<16xi32>, vector<16xi32>], vector<16xf32>,
          %add3A_239 = arith.constant 32 : i32
          %add3A_240 = vector.broadcast %add3A_239 : i32 to vector<16xi32>
          %add3A_241 = arith.addi %add3A_240, %iota3A : vector<16xi32>
          %gather3A_242 = tpu.vector_load_idx %arg12[%add3A_241, %broadcast_in_dim3A] : memref<64x512xf32, #tpu.memory_space<vmem>>[vector<16xi32>, vector<16xi32>], vector<16xf32>,
          %add3A_243 = arith.constant 32 : i32
          %add3A_244 = vector.broadcast %add3A_243 : i32 to vector<16xi32>
          %add3A_245 = arith.addi %add3A_244, %iota3A : vector<16xi32>
          tpu.vector_store_idx %arg13[%broadcast_in_dim3A_225, %add3A_245], %gather3A_242 : memref<32x128xf32, #tpu.memory_space<vmem>>[vector<16xi32>, vector<16xi32>], vector<16xf32>,
          %add3A_246 = arith.constant 48 : i32
          %add3A_247 = vector.broadcast %add3A_246 : i32 to vector<16xi32>
          %add3A_248 = arith.addi %add3A_247, %iota3A : vector<16xi32>
          %gather3A_249 = tpu.vector_load_idx %arg12[%add3A_248, %broadcast_in_dim3A] : memref<64x512xf32, #tpu.memory_space<vmem>>[vector<16xi32>, vector<16xi32>], vector<16xf32>,
          %add3A_250 = arith.constant 48 : i32
          %add3A_251 = vector.broadcast %add3A_250 : i32 to vector<16xi32>
          %add3A_252 = arith.addi %add3A_251, %iota3A : vector<16xi32>
          tpu.vector_store_idx %arg13[%broadcast_in_dim3A_225, %add3A_252], %gather3A_249 : memref<32x128xf32, #tpu.memory_space<vmem>>[vector<16xi32>, vector<16xi32>], vector<16xf32>,
          %get3A_253 = arith.constant 2 : i32
          %get3A_254 = arith.index_cast %get3A_253 : i32 to index
          %get3A_255 = arith.constant 0 : index
          %get3A_256 = tpu.vector_load %arg14[%get3A_254, %get3A_255] {strides = array<i32>} : memref<3x16xi32, #tpu.memory_space<vmem>>, vector<16xi32>,
          %eq3A_257 = vector.broadcast %and3A_198 : i32 to vector<16xi32>
          %eq3A_258 = arith.cmpi eq, %iota3A, %eq3A_257 : vector<16xi32>
          %broadcast_in_dim3A_259 = vector.broadcast %squeeze3A_197 : i32 to vector<16xi32>
          %select_n3A_260 = arith.select %eq3A_258, %broadcast_in_dim3A_259, %get3A_256 : vector<16xi1>, vector<16xi32>
          %eq3A_261 = arith.constant 15 : i32
          %eq3A_262 = arith.cmpi eq, %and3A_198, %eq3A_261 : i32
          %select_n3A_263 = arith.select %eq3A_262, %add3A_3, %select_n3A_260 : vector<16xi32>
          %swap3A_264 = arith.constant 2 : i32
          %swap3A_265 = arith.index_cast %swap3A_264 : i32 to index
          %swap3A_266 = arith.constant 0 : index
          %swap3A_267 = tpu.vector_load %arg14[%swap3A_265, %swap3A_266] {strides = array<i32>} : memref<3x16xi32, #tpu.memory_space<vmem>>, vector<16xi32>,
          tpu.vector_store %arg14[%swap3A_265, %swap3A_266], %select_n3A_263 {strides = array<i32>} : memref<3x16xi32, #tpu.memory_space<vmem>>, vector<16xi32>,
          %eq3A_268 = arith.constant 0 : i32
          %eq3A_269 = arith.cmpi eq, %shift_right_arithmetic3A_200, %eq3A_268 : i32
          %and3A_270 = arith.andi %eq3A_262, %eq3A_269 : i1
          %convert_element_type3A_271 = arith.extui %and3A_270 : i1 to i32
          %cond3A_272 = arith.constant 0 : i32
          %cond3A_273 = arith.cmpi ne, %convert_element_type3A_271, %cond3A_272 : i32
          scf.if %cond3A_273 {
            %swap3A_288 = arith.constant 0 : i32
            %swap3A_289 = arith.index_cast %swap3A_288 : i32 to index
            %swap3A_290 = arith.constant 0 : index
            %swap3A_291 = tpu.vector_load %arg14[%swap3A_289, %swap3A_290] {strides = array<i32>} : memref<3x16xi32, #tpu.memory_space<vmem>>, vector<16xi32>,
            tpu.vector_store %arg14[%swap3A_289, %swap3A_290], %select_n3A_260 {strides = array<i32>} : memref<3x16xi32, #tpu.memory_space<vmem>>, vector<16xi32>,
            %dma_start3A = arith.constant 0 : i32
            %dma_start3A_292 = arith.constant 0 : i32
            %dma_start3A_293 = arith.constant 0 : i32
            %dma_start3A_294 = tpu.memref_slice %arg13[%dma_start3A_292, %dma_start3A_293] : memref<32x128xf32, #tpu.memory_space<vmem>> -> memref<16x128xf32, #tpu.memory_space<vmem>>
            %dma_start3A_295 = arith.constant 0 : i32
            %dma_start3A_296 = tpu.memref_slice %arg14[%dma_start3A, %dma_start3A_295] : memref<3x16xi32, #tpu.memory_space<vmem>> -> memref<1x16xi32, #tpu.memory_space<vmem>>
            %dma_start3A_297 = tpu.memref_squeeze %dma_start3A_296 : memref<1x16xi32, #tpu.memory_space<vmem>> -> memref<16xi32, #tpu.memory_space<vmem>>
            %dma_start3A_298 = arith.constant 0 : i32
            %dma_start3A_299 = arith.constant 0 : i32
            %dma_start3A_300 = tpu.memref_slice %arg5[%dma_start3A_298, %dma_start3A_299] : memref<16400x128xf32, #tpu.memory_space<hbm>> -> memref<16400x128xf32, #tpu.memory_space<hbm>>
            tpu.enqueue_indirect_dma source(%dma_start3A_294 : memref<16x128xf32, #tpu.memory_space<vmem>>) target(%dma_start3A_300 : memref<16400x128xf32, #tpu.memory_space<hbm>>) offsets(%dma_start3A_297 : memref<16xi32, #tpu.memory_space<vmem>>) semaphore(%arg18 : memref<!tpu.dma_semaphore, #tpu.memory_space<semaphore_mem>>)
            %swap3A_301 = arith.constant 1 : i32
            %swap3A_302 = arith.constant 1 : i32
            %swap3A_303 = arith.index_cast %swap3A_302 : i32 to index
            %swap3A_304 = memref.load %arg15[%swap3A_303] : memref<8xi32, #tpu.memory_space<smem>>
            memref.store %swap3A_301, %arg15[%swap3A_303] : memref<8xi32, #tpu.memory_space<smem>>
          } else {
          }
          %eq3A_274 = arith.constant 1 : i32
          %eq3A_275 = arith.cmpi eq, %shift_right_arithmetic3A_200, %eq3A_274 : i32
          %and3A_276 = arith.andi %eq3A_262, %eq3A_275 : i1
          %convert_element_type3A_277 = arith.extui %and3A_276 : i1 to i32
          %cond3A_278 = arith.constant 0 : i32
          %cond3A_279 = arith.cmpi ne, %convert_element_type3A_277, %cond3A_278 : i32
          scf.if %cond3A_279 {
            %swap3A_288 = arith.constant 1 : i32
            %swap3A_289 = arith.index_cast %swap3A_288 : i32 to index
            %swap3A_290 = arith.constant 0 : index
            %swap3A_291 = tpu.vector_load %arg14[%swap3A_289, %swap3A_290] {strides = array<i32>} : memref<3x16xi32, #tpu.memory_space<vmem>>, vector<16xi32>,
            tpu.vector_store %arg14[%swap3A_289, %swap3A_290], %select_n3A_260 {strides = array<i32>} : memref<3x16xi32, #tpu.memory_space<vmem>>, vector<16xi32>,
            %dma_start3A = arith.constant 1 : i32
            %dma_start3A_292 = arith.constant 16 : i32
            %dma_start3A_293 = arith.constant 0 : i32
            %dma_start3A_294 = tpu.memref_slice %arg13[%dma_start3A_292, %dma_start3A_293] : memref<32x128xf32, #tpu.memory_space<vmem>> -> memref<16x128xf32, #tpu.memory_space<vmem>>
            %dma_start3A_295 = arith.constant 0 : i32
            %dma_start3A_296 = tpu.memref_slice %arg14[%dma_start3A, %dma_start3A_295] : memref<3x16xi32, #tpu.memory_space<vmem>> -> memref<1x16xi32, #tpu.memory_space<vmem>>
            %dma_start3A_297 = tpu.memref_squeeze %dma_start3A_296 : memref<1x16xi32, #tpu.memory_space<vmem>> -> memref<16xi32, #tpu.memory_space<vmem>>
            %dma_start3A_298 = arith.constant 0 : i32
            %dma_start3A_299 = arith.constant 0 : i32
            %dma_start3A_300 = tpu.memref_slice %arg5[%dma_start3A_298, %dma_start3A_299] : memref<16400x128xf32, #tpu.memory_space<hbm>> -> memref<16400x128xf32, #tpu.memory_space<hbm>>
            tpu.enqueue_indirect_dma source(%dma_start3A_294 : memref<16x128xf32, #tpu.memory_space<vmem>>) target(%dma_start3A_300 : memref<16400x128xf32, #tpu.memory_space<hbm>>) offsets(%dma_start3A_297 : memref<16xi32, #tpu.memory_space<vmem>>) semaphore(%arg19 : memref<!tpu.dma_semaphore, #tpu.memory_space<semaphore_mem>>)
            %swap3A_301 = arith.constant 1 : i32
            %swap3A_302 = arith.constant 2 : i32
            %swap3A_303 = arith.index_cast %swap3A_302 : i32 to index
            %swap3A_304 = memref.load %arg15[%swap3A_303] : memref<8xi32, #tpu.memory_space<smem>>
            memref.store %swap3A_301, %arg15[%swap3A_303] : memref<8xi32, #tpu.memory_space<smem>>
          } else {
          }
          %add3A_280 = arith.constant 1 : i32
          %add3A_281 = arith.addi %get3A_185, %add3A_280 : i32
          %and3A_282 = arith.constant 31 : i32
          %and3A_283 = arith.andi %add3A_281, %and3A_282 : i32
          %swap3A_284 = arith.constant 0 : i32
          %swap3A_285 = arith.index_cast %swap3A_284 : i32 to index
          %swap3A_286 = memref.load %arg15[%swap3A_285] : memref<8xi32, #tpu.memory_space<smem>>
          memref.store %and3A_283, %arg15[%swap3A_285] : memref<8xi32, #tpu.memory_space<smem>>
          %while3A_287 = arith.constant 0 : i32
          scf.yield %while3A_287 : i32
        }
        %add3A_179 = arith.addi %while3A_147, %while3A_166#1 : i32
        %while3A_180 = arith.constant 0 : i32
        scf.yield %add3A_179, %while3A_166#1, %while3A_180 : i32, i32, i32
      }
      %scan3A_146 = arith.constant 0 : i32
      scf.yield %scan3A_146 : i32
    }
    %scan3A_40 = arith.constant 31 : i32
    %get3A = arith.constant 0 : i32
    %get3A_41 = arith.index_cast %get3A : i32 to index
    %get3A_42 = memref.load %arg15[%get3A_41] : memref<8xi32, #tpu.memory_space<smem>>
    %shift_right_arithmetic3A_43 = arith.constant 4 : i32
    %shift_right_arithmetic3A_44 = arith.shrsi %get3A_42, %shift_right_arithmetic3A_43 : i32
    %get3A_45 = arith.constant 1 : i32
    %get3A_46 = arith.index_cast %get3A_45 : i32 to index
    %get3A_47 = memref.load %arg15[%get3A_46] : memref<8xi32, #tpu.memory_space<smem>>
    %gt3A = arith.constant 0 : i32
    %gt3A_48 = arith.cmpi sgt, %get3A_47, %gt3A : i32
    %convert_element_type3A_49 = arith.extui %gt3A_48 : i1 to i32
    %cond3A_50 = arith.constant 0 : i32
    %cond3A_51 = arith.cmpi ne, %convert_element_type3A_49, %cond3A_50 : i32
    scf.if %cond3A_51 {
      %dma_wait3A = arith.constant 0 : i32
      %dma_wait3A_74 = arith.constant 0 : i32
      %dma_wait3A_75 = tpu.memref_slice %arg13[%dma_wait3A, %dma_wait3A_74] : memref<32x128xf32, #tpu.memory_space<vmem>> -> memref<16x128xf32, #tpu.memory_space<vmem>>
      %dma_wait3A_76 = arith.constant 0 : i32
      %dma_wait3A_77 = arith.constant 0 : i32
      %dma_wait3A_78 = tpu.memref_slice %arg5[%dma_wait3A_76, %dma_wait3A_77] : memref<16400x128xf32, #tpu.memory_space<hbm>> -> memref<16x128xf32, #tpu.memory_space<hbm>>
      %dma_wait3A_79 = arith.constant 0 : i32
      %dma_wait3A_80 = arith.constant 0 : i32
      %dma_wait3A_81 = tpu.memref_slice %arg13[%dma_wait3A_79, %dma_wait3A_80] : memref<32x128xf32, #tpu.memory_space<vmem>> -> memref<16x128xf32, #tpu.memory_space<vmem>>
      %dma_wait3A_82 = arith.constant 0 : i32
      %dma_wait3A_83 = arith.constant 0 : i32
      %dma_wait3A_84 = tpu.memref_slice %arg5[%dma_wait3A_82, %dma_wait3A_83] : memref<16400x128xf32, #tpu.memory_space<hbm>> -> memref<16x128xf32, #tpu.memory_space<hbm>>
      tpu.wait_dma2 semaphore(%arg18 : memref<!tpu.dma_semaphore, #tpu.memory_space<semaphore_mem>>) src(%dma_wait3A_84 : memref<16x128xf32, #tpu.memory_space<hbm>>) dst(%dma_wait3A_81 : memref<16x128xf32, #tpu.memory_space<vmem>>)
    } else {
    }
    %get3A_52 = arith.constant 2 : i32
    %get3A_53 = arith.index_cast %get3A_52 : i32 to index
    %get3A_54 = memref.load %arg15[%get3A_53] : memref<8xi32, #tpu.memory_space<smem>>
    %gt3A_55 = arith.constant 0 : i32
    %gt3A_56 = arith.cmpi sgt, %get3A_54, %gt3A_55 : i32
    %convert_element_type3A_57 = arith.extui %gt3A_56 : i1 to i32
    %cond3A_58 = arith.constant 0 : i32
    %cond3A_59 = arith.cmpi ne, %convert_element_type3A_57, %cond3A_58 : i32
    scf.if %cond3A_59 {
      %dma_wait3A = arith.constant 16 : i32
      %dma_wait3A_74 = arith.constant 0 : i32
      %dma_wait3A_75 = tpu.memref_slice %arg13[%dma_wait3A, %dma_wait3A_74] : memref<32x128xf32, #tpu.memory_space<vmem>> -> memref<16x128xf32, #tpu.memory_space<vmem>>
      %dma_wait3A_76 = arith.constant 0 : i32
      %dma_wait3A_77 = arith.constant 0 : i32
      %dma_wait3A_78 = tpu.memref_slice %arg5[%dma_wait3A_76, %dma_wait3A_77] : memref<16400x128xf32, #tpu.memory_space<hbm>> -> memref<16x128xf32, #tpu.memory_space<hbm>>
      %dma_wait3A_79 = arith.constant 16 : i32
      %dma_wait3A_80 = arith.constant 0 : i32
      %dma_wait3A_81 = tpu.memref_slice %arg13[%dma_wait3A_79, %dma_wait3A_80] : memref<32x128xf32, #tpu.memory_space<vmem>> -> memref<16x128xf32, #tpu.memory_space<vmem>>
      %dma_wait3A_82 = arith.constant 0 : i32
      %dma_wait3A_83 = arith.constant 0 : i32
      %dma_wait3A_84 = tpu.memref_slice %arg5[%dma_wait3A_82, %dma_wait3A_83] : memref<16400x128xf32, #tpu.memory_space<hbm>> -> memref<16x128xf32, #tpu.memory_space<hbm>>
      tpu.wait_dma2 semaphore(%arg19 : memref<!tpu.dma_semaphore, #tpu.memory_space<semaphore_mem>>) src(%dma_wait3A_84 : memref<16x128xf32, #tpu.memory_space<hbm>>) dst(%dma_wait3A_81 : memref<16x128xf32, #tpu.memory_space<vmem>>)
    } else {
    }
    %get3A_60 = arith.constant 2 : i32
    %get3A_61 = arith.index_cast %get3A_60 : i32 to index
    %get3A_62 = arith.constant 0 : index
    %get3A_63 = tpu.vector_load %arg14[%get3A_61, %get3A_62] {strides = array<i32>} : memref<3x16xi32, #tpu.memory_space<vmem>>, vector<16xi32>,
    %eq3A_64 = arith.constant 0 : i32
    %eq3A_65 = arith.cmpi eq, %shift_right_arithmetic3A_44, %eq3A_64 : i32
    %convert_element_type3A_66 = arith.extui %eq3A_65 : i1 to i32
    %cond3A_67 = arith.constant 0 : i32
    %cond3A_68 = arith.cmpi ne, %convert_element_type3A_66, %cond3A_67 : i32
    scf.if %cond3A_68 {
      %swap3A_74 = arith.constant 0 : i32
      %swap3A_75 = arith.index_cast %swap3A_74 : i32 to index
      %swap3A_76 = arith.constant 0 : index
      %swap3A_77 = tpu.vector_load %arg14[%swap3A_75, %swap3A_76] {strides = array<i32>} : memref<3x16xi32, #tpu.memory_space<vmem>>, vector<16xi32>,
      tpu.vector_store %arg14[%swap3A_75, %swap3A_76], %get3A_63 {strides = array<i32>} : memref<3x16xi32, #tpu.memory_space<vmem>>, vector<16xi32>,
      %dma_start3A = arith.constant 0 : i32
      %dma_start3A_78 = arith.constant 0 : i32
      %dma_start3A_79 = arith.constant 0 : i32
      %dma_start3A_80 = tpu.memref_slice %arg13[%dma_start3A_78, %dma_start3A_79] : memref<32x128xf32, #tpu.memory_space<vmem>> -> memref<16x128xf32, #tpu.memory_space<vmem>>
      %dma_start3A_81 = arith.constant 0 : i32
      %dma_start3A_82 = tpu.memref_slice %arg14[%dma_start3A, %dma_start3A_81] : memref<3x16xi32, #tpu.memory_space<vmem>> -> memref<1x16xi32, #tpu.memory_space<vmem>>
      %dma_start3A_83 = tpu.memref_squeeze %dma_start3A_82 : memref<1x16xi32, #tpu.memory_space<vmem>> -> memref<16xi32, #tpu.memory_space<vmem>>
      %dma_start3A_84 = arith.constant 0 : i32
      %dma_start3A_85 = arith.constant 0 : i32
      %dma_start3A_86 = tpu.memref_slice %arg5[%dma_start3A_84, %dma_start3A_85] : memref<16400x128xf32, #tpu.memory_space<hbm>> -> memref<16400x128xf32, #tpu.memory_space<hbm>>
      tpu.enqueue_indirect_dma source(%dma_start3A_80 : memref<16x128xf32, #tpu.memory_space<vmem>>) target(%dma_start3A_86 : memref<16400x128xf32, #tpu.memory_space<hbm>>) offsets(%dma_start3A_83 : memref<16xi32, #tpu.memory_space<vmem>>) semaphore(%arg18 : memref<!tpu.dma_semaphore, #tpu.memory_space<semaphore_mem>>)
      %dma_wait3A = arith.constant 0 : i32
      %dma_wait3A_87 = arith.constant 0 : i32
      %dma_wait3A_88 = arith.constant 0 : i32
      %dma_wait3A_89 = tpu.memref_slice %arg13[%dma_wait3A_87, %dma_wait3A_88] : memref<32x128xf32, #tpu.memory_space<vmem>> -> memref<16x128xf32, #tpu.memory_space<vmem>>
      %dma_wait3A_90 = arith.constant 0 : i32
      %dma_wait3A_91 = tpu.memref_slice %arg14[%dma_wait3A, %dma_wait3A_90] : memref<3x16xi32, #tpu.memory_space<vmem>> -> memref<1x16xi32, #tpu.memory_space<vmem>>
      %dma_wait3A_92 = tpu.memref_squeeze %dma_wait3A_91 : memref<1x16xi32, #tpu.memory_space<vmem>> -> memref<16xi32, #tpu.memory_space<vmem>>
      %dma_wait3A_93 = arith.constant 0 : i32
      %dma_wait3A_94 = arith.constant 0 : i32
      %dma_wait3A_95 = tpu.memref_slice %arg5[%dma_wait3A_93, %dma_wait3A_94] : memref<16400x128xf32, #tpu.memory_space<hbm>> -> memref<16400x128xf32, #tpu.memory_space<hbm>>
      tpu.wait_indirect_dma semaphore(%arg18 : memref<!tpu.dma_semaphore, #tpu.memory_space<semaphore_mem>>) src(%dma_wait3A_89 : memref<16x128xf32, #tpu.memory_space<vmem>>) dst(%dma_wait3A_95 : memref<16400x128xf32, #tpu.memory_space<hbm>>)
    } else {
    }
    %eq3A_69 = arith.constant 1 : i32
    %eq3A_70 = arith.cmpi eq, %shift_right_arithmetic3A_44, %eq3A_69 : i32
    %convert_element_type3A_71 = arith.extui %eq3A_70 : i1 to i32
    %cond3A_72 = arith.constant 0 : i32
    %cond3A_73 = arith.cmpi ne, %convert_element_type3A_71, %cond3A_72 : i32
    scf.if %cond3A_73 {
      %swap3A_74 = arith.constant 1 : i32
      %swap3A_75 = arith.index_cast %swap3A_74 : i32 to index
      %swap3A_76 = arith.constant 0 : index
      %swap3A_77 = tpu.vector_load %arg14[%swap3A_75, %swap3A_76] {strides = array<i32>} : memref<3x16xi32, #tpu.memory_space<vmem>>, vector<16xi32>,
      tpu.vector_store %arg14[%swap3A_75, %swap3A_76], %get3A_63 {strides = array<i32>} : memref<3x16xi32, #tpu.memory_space<vmem>>, vector<16xi32>,
      %dma_start3A = arith.constant 1 : i32
      %dma_start3A_78 = arith.constant 16 : i32
      %dma_start3A_79 = arith.constant 0 : i32
      %dma_start3A_80 = tpu.memref_slice %arg13[%dma_start3A_78, %dma_start3A_79] : memref<32x128xf32, #tpu.memory_space<vmem>> -> memref<16x128xf32, #tpu.memory_space<vmem>>
      %dma_start3A_81 = arith.constant 0 : i32
      %dma_start3A_82 = tpu.memref_slice %arg14[%dma_start3A, %dma_start3A_81] : memref<3x16xi32, #tpu.memory_space<vmem>> -> memref<1x16xi32, #tpu.memory_space<vmem>>
      %dma_start3A_83 = tpu.memref_squeeze %dma_start3A_82 : memref<1x16xi32, #tpu.memory_space<vmem>> -> memref<16xi32, #tpu.memory_space<vmem>>
      %dma_start3A_84 = arith.constant 0 : i32
      %dma_start3A_85 = arith.constant 0 : i32
      %dma_start3A_86 = tpu.memref_slice %arg5[%dma_start3A_84, %dma_start3A_85] : memref<16400x128xf32, #tpu.memory_space<hbm>> -> memref<16400x128xf32, #tpu.memory_space<hbm>>
      tpu.enqueue_indirect_dma source(%dma_start3A_80 : memref<16x128xf32, #tpu.memory_space<vmem>>) target(%dma_start3A_86 : memref<16400x128xf32, #tpu.memory_space<hbm>>) offsets(%dma_start3A_83 : memref<16xi32, #tpu.memory_space<vmem>>) semaphore(%arg19 : memref<!tpu.dma_semaphore, #tpu.memory_space<semaphore_mem>>)
      %dma_wait3A = arith.constant 1 : i32
      %dma_wait3A_87 = arith.constant 16 : i32
      %dma_wait3A_88 = arith.constant 0 : i32
      %dma_wait3A_89 = tpu.memref_slice %arg13[%dma_wait3A_87, %dma_wait3A_88] : memref<32x128xf32, #tpu.memory_space<vmem>> -> memref<16x128xf32, #tpu.memory_space<vmem>>
      %dma_wait3A_90 = arith.constant 0 : i32
      %dma_wait3A_91 = tpu.memref_slice %arg14[%dma_wait3A, %dma_wait3A_90] : memref<3x16xi32, #tpu.memory_space<vmem>> -> memref<1x16xi32, #tpu.memory_space<vmem>>
      %dma_wait3A_92 = tpu.memref_squeeze %dma_wait3A_91 : memref<1x16xi32, #tpu.memory_space<vmem>> -> memref<16xi32, #tpu.memory_space<vmem>>
      %dma_wait3A_93 = arith.constant 0 : i32
      %dma_wait3A_94 = arith.constant 0 : i32
      %dma_wait3A_95 = tpu.memref_slice %arg5[%dma_wait3A_93, %dma_wait3A_94] : memref<16400x128xf32, #tpu.memory_space<hbm>> -> memref<16400x128xf32, #tpu.memory_space<hbm>>
      tpu.wait_indirect_dma semaphore(%arg19 : memref<!tpu.dma_semaphore, #tpu.memory_space<semaphore_mem>>) src(%dma_wait3A_89 : memref<16x128xf32, #tpu.memory_space<vmem>>) dst(%dma_wait3A_95 : memref<16400x128xf32, #tpu.memory_space<hbm>>)
    } else {
    }
    return
  }
}

</mosaic_0001>

<sc_bundles>
// kernel: kernel.3.cloned.1.call-start
scs
__scs_entry_jumppad:
0x0: {  	(pc) =	sbr.rel $0x88, $3  }
0x1: {  	(tag) =	ssettag $0x0;
	lr =	simm.s32 $0x1  }
0x2: {  	[smem:$0x3F9F] =	sst lr;
	_ =	strace $0xD0000000  }
0x3: {  	_ = 	snop  }
0x4: {  	_ = 	snop  }
0x5: {  	_ = 	snop  }
0x6: {  	_ = 	snop  }
0x7: {  	_ = 	snop  }
__scs_overlays_trampoline_lowered:
0x8: {  	[smem:$0x3FAE] =	sst s0  }
0x9: {  	[smem:$0x3FAF] =	sst s1  }
0xa: {  	[smem:$0x3FB0] =	sst s2  }
0xb: {  	[smem:$0x3FB1] =	sst s3  }
0xc: {  	[smem:$0x3FB2] =	sst s4  }
0xd: {  	[smem:$0x3FB3] =	sst s5  }
0xe: {  	[smem:$0x3FB4] =	sst s6  }
0xf: {  	[smem:$0x3FB5] =	sst s7  }
0x10: {  	[smem:$0x3FB6] =	sst s8  }
0x11: {  	[smem:$0x3FB7] =	sst s9;
	s0 =	simm.s32 @!p0 $0x0  }
0x12: {  	s1 =	sld [smem:$0x3F9D];
	s0 =	simm.s32 @p0 $0x1  }
0x13: {  	[smem:$0x3FB8] =	sst s0;
	s0 =	simm.s32 @!p1 $0x0  }
0x14: {  	s2 =	sld [smem:$0x3F9C];
	s0 =	simm.s32 @p1 $0x1  }
0x15: {  	[smem:$0x3FB9] =	sst s0;
	s0 =	simm.s32 @!p2 $0x0  }
0x16: {  	s3 =	sld [smem:$0x3FDB];
	s0 =	simm.s32 @p2 $0x1  }
0x17: {  	s4 =	simm.s32 $0x1BF5;
	[smem:$0x3FBB] =	sst s0  }
0x18: {  	s0 =	sld [smem:$0x3F9E];
	_ =	swait.ge [sflag:s4], $0x0  }
0x19: {  	s7 =	sld [smem:$0x3F9F]  }
0x1a: {  	s8 =	sadd.s32 $0xFFFFE003, lr  }
0x1b: {  	s9 =	sadd.s32 $0xFFFFFEF7, lr;
	s5 =	simm.s32 $0xFFFFFFFF;
	p2 =	slt.u32 s8, $0xFFFFF086  }
0x1c: {  	p1 =	slt.u32 s9, $0xF7A;
	s5 =	simm.s32 @!p2 $0x0  }
0x1d: {  	s5 =	simm.s32 @p1 $0x1;
	p0 =	seq.s32 s7, s2  }
0x1e: {  	s7 =	smul.u32 @!p0 $0xF7A, s2;
	p2 =	seq.s32 @!p0 s5, $0x0  }
0x1f: {  	s9 =	smul.u32 $0xF7A, s1;
	s8 =	simm.s32 @!p0 $0x1BF5;
	p2 =	por !p2, p0  }
0x20: {  	[sflag:s8] =	ssyncset.s32 @!p0 $0xFFFFF086;
	s6 =	sadd.s32 @!p0 s3, s7;
	s7 =	simm.s32 @!p0 $0x108  }
0x21: {  	s3 =	sadd.s32 s3, s9;
	s6 =	sadd.s32 @!p0 $0x88, s6;
	s7 =	simm.s32 @p2 $0x1082  }
0x22: {  	[simem:s7], [sflag:s8] =	dma.local @!p0 [hbm:s6], $0xF7A  }
0x23: {  	s9 =	sor.u32 $0xD0000000, s2;
	s6 =	simm.s32 $0x108;
	_ =	swait.ge @!p0 [sflag:s8], $0x0  }
0x24: {  	s3 =	sadd.s32 $0x88, s3;
	s6 =	simm.s32 @!p1 $0x1082;
	[sflag:s4] =	ssyncset.s32 $0xFFFFF086  }
0x25: {  	[simem:s6], [sflag:s4] =	dma.local [hbm:s3], $0xF7A  }
0x26: {  	[smem:$0x3F9F] =	sst s1;
	(tag) =	ssettag s2;
	_ =	strace s9  }
0x27: {  	s1 =	sld [smem:$0x3FAF]  }
0x28: {  	s2 =	sld [smem:$0x3FB0]  }
0x29: {  	s4 =	sld [smem:$0x3FB2]  }
0x2a: {  	p0 =	seq.s32 s5, $0x0;
	s5 =	sld [smem:$0x3FB3]  }
0x2b: {  	s6 =	sld [smem:$0x3FB4]  }
0x2c: {  	s7 =	sld [smem:$0x3FB5]  }
0x2d: {  	s3 =	simm.s32 $0x108;
	s8 =	sld [smem:$0x3FB6]  }
0x2e: {  	s3 =	simm.s32 @!p0 $0x1082;
	s9 =	sld [smem:$0x3FB7]  }
0x2f: {  	lr =	sadd.s32 s0, s3;
	s0 =	sld [smem:$0x3FAE]  }
0x30: {  	s3 =	sld [smem:$0x3FB1]  }
0x31: {  	[smem:$0x3FBA] =	sst s10  }
0x32: {  	s10 =	sld [smem:$0x3FB8];
	_ =	sdelay $0x3  }
0x33: {  	p0 =	seq.s32 s10, $0x1;
	s10 =	sld [smem:$0x3FBA];
	_ =	sdelay $0x3  }
0x34: {  	[smem:$0x3FBA] =	sst s10  }
0x35: {  	s10 =	sld [smem:$0x3FB9];
	_ =	sdelay $0x3  }
0x36: {  	p1 =	seq.s32 s10, $0x1;
	s10 =	sld [smem:$0x3FBA];
	_ =	sdelay $0x3  }
0x37: {  	[smem:$0x3FBA] =	sst s10  }
0x38: {  	s10 =	sld [smem:$0x3FBB]  }
0x39: {  	_ = 	snop;
	(pc) =	sbr.ind lr, $3  }
0x3a: {  	_ = 	snop  }
0x3b: {  	_ = 	snop  }
0x3c: {  	p2 =	seq.s32 s10, $0x1;
	s10 =	sld [smem:$0x3FBA]  }
0x3d: {  	_ =	shalt  }
0x3e: {  	_ =	shalt  }
0x3f: {  	_ =	shalt  }
0x40: {  	_ =	shalt  }
0x41: {  	_ =	shalt  }
0x42: {  	_ =	shalt  }
0x43: {  	_ =	shalt  }
0x44: {  	_ =	shalt  }
0x45: {  	_ =	shalt  }
0x46: {  	_ =	shalt  }
0x47: {  	_ =	shalt  }
0x48: {  	_ =	shalt  }
0x49: {  	_ =	shalt  }
0x4a: {  	_ =	shalt  }
0x4b: {  	_ =	shalt  }
0x4c: {  	_ =	shalt  }
0x4d: {  	_ =	shalt  }
0x4e: {  	_ =	shalt  }
0x4f: {  	_ =	shalt  }
0x50: {  	_ =	shalt  }
0x51: {  	_ =	shalt  }
0x52: {  	_ =	shalt  }
0x53: {  	_ =	shalt  }
0x54: {  	_ =	shalt  }
0x55: {  	_ =	shalt  }
0x56: {  	_ =	shalt  }
0x57: {  	_ =	shalt  }
0x58: {  	_ =	shalt  }
0x59: {  	_ =	shalt  }
0x5a: {  	_ =	shalt  }
0x5b: {  	_ =	shalt  }
0x5c: {  	_ =	shalt  }
0x5d: {  	_ =	shalt  }
0x5e: {  	_ =	shalt  }
0x5f: {  	_ =	shalt  }
0x60: {  	_ =	shalt  }
0x61: {  	_ =	shalt  }
0x62: {  	_ =	shalt  }
0x63: {  	_ =	shalt  }
0x64: {  	_ =	shalt  }
0x65: {  	_ =	shalt  }
0x66: {  	_ =	shalt  }
0x67: {  	_ =	shalt  }
0x68: {  	_ =	shalt  }
0x69: {  	_ =	shalt  }
0x6a: {  	_ =	shalt  }
0x6b: {  	_ =	shalt  }
0x6c: {  	_ =	shalt  }
0x6d: {  	_ =	shalt  }
0x6e: {  	_ =	shalt  }
0x6f: {  	_ =	shalt  }
0x70: {  	_ =	shalt  }
0x71: {  	_ =	shalt  }
0x72: {  	_ =	shalt  }
0x73: {  	_ =	shalt  }
0x74: {  	_ =	shalt  }
0x75: {  	_ =	shalt  }
0x76: {  	_ =	shalt  }
0x77: {  	_ =	shalt  }
0x78: {  	_ =	shalt  }
0x79: {  	_ =	shalt  }
0x7a: {  	_ =	shalt  }
0x7b: {  	_ =	shalt  }
0x7c: {  	_ =	shalt  }
0x7d: {  	_ =	shalt  }
0x7e: {  	_ =	shalt  }
0x7f: {  	_ =	shalt  }
0x80: {  	_ =	shalt  }
0x81: {  	_ =	shalt  }
0x82: {  	_ =	shalt  }
0x83: {  	_ =	shalt  }
0x84: {  	_ =	shalt  }
0x85: {  	_ =	shalt  }
0x86: {  	_ =	shalt  }
0x87: {  	_ =	shalt  }
.Lfunc_end0:
.L_simem_size_0:
called_computation_lowered:
.L_overlay_start_0:
0x88: {  	s2 =	sld [smem:$0x3FD9]  }
0x89: {  	s3 =	sld [smem:$0x3FFE];
	_ =	sdelay $0x1  }
0x8a: {  	s1 =	srdreg.scid  }
0x8b: {  	s0 =	sand.u32 $0x1, s1  }
0x8c: {  	s17 =	sshll.u32 s0, $0xA;
	s2 =	sadd.s32 s3, s2  }
0x8d: {  	s2 =	sadd.s32 s2, s17  }
0x8e: {  	[smem:$0x3FC6] =	sst s2  }
0x8f: {  	_ = 	snop  }
0x90: {  	s2 =	sld [smem:$0x3FC9]  }
0x91: {  	s18 =	sld [smem:$0x3FC8]  }
0x92: {  	s4 =	sld [smem:$0x3FD0];
	(tm) =	ssettm $0x1  }
0x93: {  	s5 =	sld [smem:$0x3FFB];
	_ =	sdelay $0x3  }
0x94: {  	_ =	strace s5  }
0x95: {  	s5 =	sld [smem:$0x3FFC];
	_ =	sdelay $0x3  }
0x96: {  	_ =	strace s5  }
0x97: {  	s5 =	sld [smem:$0x3FFD];
	_ =	sdelay $0x3  }
0x98: {  	_ =	strace s5  }
0x99: {  	_ =	strace $0x8FFFFFFF  }
0x9a: {  	s19 =	sld [smem:$0x3FDB];
	_ =	sdelay $0x1  }
0x9b: {  	s6 =	simm.s32 $_scs_section_size  }
0x9c: {  	s7 =	simm.s32 $_size__tile_overlayer_lowered;
	s8 =	simm.s32 $_tile_overlayer_lowered  }
0x9d: {  	s22 =	simm.s32 $0x1BFF;
	s21 =	sshll.u32 s8, $0x1;
	s5 =	sadd.s32 s6, s19  }
0x9e: {  	s9 =	simm.s32 $0x0;
	s20 =	sshll.u32 s7, $0x1;
	s7 =	sadd.s32 s21, s5  }
0x9f: {  	[timem:s9], [sflag:s22] =	dma.local [hbm:s7], s20  }
0xa0: {  	_ =	swait.ge [sflag:s22], s20  }
0xa1: {  	s6 =	ssub.s32 $0x0, s20;
	[sflag:s22] =	ssyncset.done $0x0  }
0xa2: {  	[sflag:s22] =	ssyncadd.s32 s6;
	_ =	sdelay $0x1  }
0xa3: {  	s23 =	simm.s32 $0x1B8B  }
0xa4: {  	_ =	swait.ge [sflag:s23], $0x1  }
0xa5: {  	[sflag:s23] =	ssyncset.done $0x0  }
0xa6: {  	s25 =	simm.s32 $0x1B8E;
	s24 =	sld [smem:$0x3FFE];
	[sflag:s23] =	ssyncadd.s32 $0xFFFFFFFF  }
0xa7: {  	s26 =	simm.s32 $execute0_lowered;
	[smem:$0x3FD2] =	sst s25  }
0xa8: {  	s7 =	sshll.u32 s26, $0x1;
	_ =	strace $0x80000046;
	[dreg:$0x1] =	wrdreg $0xFFFFFFFF  }
0xa9: {  	s28 =	simm.s32 $_size_execute0_lowered;
	s5 =	sadd.s32 s5, s7;
	[dreg:$0x0] =	wrdreg $0x0  }
0xaa: {  	s7 =	sshll.u32 s28, $0x1;
	[dreg:$0x2] =	wrdreg s5  }
0xab: {  	[dreg:$0x3] =	wrdreg s7  }
0xac: {  	[dreg:$0x4] =	wrdreg $0xC0  }
0xad: {  	_ =	task [dreg:s9], $0x5FFFF  }
0xae: {  	[dreg:$0x1] =	wrdreg $0xFFFFFFFF  }
0xaf: {  	[dreg:$0x0] =	wrdreg $0x60  }
0xb0: {  	[dreg:$0x2] =	wrdreg s2  }
0xb1: {  	[dreg:$0x3] =	wrdreg s18  }
0xb2: {  	[dreg:$0x4] =	wrdreg s4  }
0xb3: {  	[dreg:$0x5] =	wrdreg s24  }
0xb4: {  	[dreg:$0x6] =	wrdreg $0x9  }
0xb5: {  	_ =	task.clear_ibuf [dreg:s9], $0x7FFFF;
	_ =	strace $0x90000046  }
0xb6: {  	s29 =	simm.s32 $0x9;
	_ =	strace $0x80000048  }
0xb7: {  	_ =	swait.ge [sflag:s29], $0x1  }
0xb8: {  	[sflag:s29] =	ssyncadd.s32 $0xFFFFFFFF  }
0xb9: {  	_ =	strace $0x90000048  }
0xba: {  	_ =	sfence  }
0xbb: {  	s30 =	sld [smem:$0x0];
	_ =	sdelay $0x2  }
0xbc: {  	s31 =	sshll.u32 s1, $0xD;
	s1 =	sshrl.u32 s1, $0x2  }
0xbd: {  	s3 =	sand.u32 $0x4000, s31;
	s1 =	sadd.s32 s1, s30  }
0xbe: {  	s0 =	sor.u32 s3, s0;
	s1 =	sshll.u32 s1, $0x11  }
0xbf: {  	s0 =	sor.u32 s1, s0  }
0xc0: {  	s0 =	sadd.s32 $0x8F2B, s0  }
0xc1: {  	[sflag:s0] =	ssyncadd.remote.s32 $0x1  }
0xc2: {  	_ =	sfence.sel $0xFFFF  }
0xc3: {  	[dreg:$0x0] =	wrdreg $0xFFFFFFFF;
	(pc) =	sbr.abs _section_cstart, $3  }
0xc4: {  	[dreg:$0x1] =	wrdreg $0xFFFFFFFF  }
0xc5: {  	_ =	task.clear_ibuf [dreg:s9], $0x2FFFF;
	_ =	strace $0x9FFFFFFF  }
0xc6: {  	(tm) =	ssettm $0x7FFFFFFF  }
0xc7: {  	_ =	shalt  }
tec
execute0_lowered:
.L_overlay_start_1:
0x0: {  	(tag) =	ssettag $0x1  }
0x1: {  	v0 =	vimm.s32 $0x1380;
	vm14 =	vcmask $0x300  }
0x2: {  	vm13 =	vcmask $0x704;
	vm12 =	vcmask $0xB08;
	vm11 =	vcmask $0xF0C  }
0x3: {  	vm10 =	vcmask $0x1310;
	vm9 =	vcmask $0x1714;
	vm8 =	vcmask $0x1B18  }
0x4: {  	vm7 =	vcmask $0x1F1C;
	vm6 =	vcmask $0x2320;
	vm5 =	vcmask $0x2724  }
0x5: {  	vm4 =	vcmask $0x2B28;
	vm3 =	vcmask $0x2F2C;
	vm2 =	vcmask $0x3330  }
0x6: {  	vm1 =	vcmask $0x3734;
	vm0 =	vcmask $0x3B38;
	v5 =	vimm.s32 $0x3380  }
0x7: {  	v6 =	vimm.s32 $0x5380;
	v7 =	vimm.s32 $0x7380;
	v0 =	vsel vm14, $0x0, v0  }
0x8: {  	v5 =	vsel vm14, $0x2000, v5;
	v6 =	vsel vm14, $0x4000, v6;
	v7 =	vsel vm14, $0x6000, v7  }
0x9: {  	v0 =	vsel vm13, $0x80, v0;
	v5 =	vsel vm13, $0x2080, v5;
	v6 =	vsel vm13, $0x4080, v6  }
0xa: {  	v7 =	vsel vm13, $0x6080, v7;
	v0 =	vsel vm12, $0x100, v0;
	v5 =	vsel vm12, $0x2100, v5  }
0xb: {  	v6 =	vsel vm12, $0x4100, v6;
	v7 =	vsel vm12, $0x6100, v7;
	v0 =	vsel vm11, $0x180, v0  }
0xc: {  	v5 =	vsel vm11, $0x2180, v5;
	v6 =	vsel vm11, $0x4180, v6;
	v7 =	vsel vm11, $0x6180, v7  }
0xd: {  	v0 =	vsel vm10, $0x200, v0;
	v5 =	vsel vm10, $0x2200, v5;
	v6 =	vsel vm10, $0x4200, v6  }
0xe: {  	s0 =	srdreg.scid;
	v7 =	vsel vm10, $0x6200, v7;
	v0 =	vsel vm9, $0x280, v0;
	v5 =	vsel vm9, $0x2280, v5  }
0xf: {  	s1 =	stileid.u32;
	s4 =	rddreg [dreg:$0x1];
	v6 =	vsel vm9, $0x4280, v6;
	v7 =	vsel vm9, $0x6280, v7;
	v0 =	vsel vm8, $0x300, v0  }
0x10: {  	s5 =	rddreg [dreg:$0x2];
	s0 =	sand.u32 $0x1, s0;
	s1 =	sshll.u32 s1, $0x1;
	v5 =	vsel vm8, $0x2300, v5;
	v6 =	vsel vm8, $0x4300, v6;
	v7 =	vsel vm8, $0x6300, v7  }
0x11: {  	s21 =	rddreg [dreg:$0x3];
	s2 =	simm.s32 $0x0;
	s3 =	sor.u32 s0, s1;
	v0 =	vsel vm7, $0x380, v0;
	v5 =	vsel vm7, $0x2380, v5;
	v6 =	vsel vm7, $0x4380, v6  }
0x12: {  	s28 =	simm.s32 $0x15200;
	[smem:$0x7FF] =	sst s2;
	v7 =	vsel vm7, $0x6380, v7;
	v1 =	vsel vm6, $0x1000, v0;
	v0 =	vmov s3  }
0x13: {  	s7 =	sadd.s32 $0x400, s21;
	s24 =	sadd.s32 $0x8000, s4;
	s25 =	sadd.s32 $0x80, s5;
	v5 =	vsel vm6, $0x3000, v5;
	v6 =	vsel vm6, $0x5000, v6;
	v7 =	vsel vm6, $0x7000, v7  }
0x14: {  	s26 =	sadd.s32 $0x100, s5;
	_ =	strace $0x80000047;
	[dreg:$0x7] =	wrdreg s24;
	v2 =	vsel vm5, $0x1080, v1;
	v1 =	vlaneseq.u32;
	v5 =	vsel vm5, $0x3080, v5  }
0x15: {  	s29 =	sadd.s32 $0x180, s5;
	s30 =	sadd.s32 $0x200, s5;
	[dreg:$0x9] =	wrdreg s25;
	v6 =	vsel vm5, $0x5080, v6;
	v7 =	vsel vm5, $0x7080, v7;
	v3 =	vsel vm4, $0x1100, v2  }
0x16: {  	s31 =	sadd.s32 $0x280, s5;
	s16 =	sadd.s32 $0x300, s5;
	[dreg:$0xa] =	wrdreg s26;
	v2 =	vimm.s32 $0x0;
	v5 =	vsel vm4, $0x3100, v5;
	v6 =	vsel vm4, $0x5100, v6  }
0x17: {  	s17 =	sadd.s32 $0x380, s5;
	s21 =	simm.s32 $0xD200;
	[dreg:$0xb] =	wrdreg s29;
	v7 =	vsel vm4, $0x7100, v7;
	v10 =	vor.u32 $0x30, v1;
	v4 =	vsel vm3, $0x1180, v3  }
0x18: {  	s2 =	simm.s32 $0x0;
	s0 =	ssub.s32 $0x2, s0;
	[dreg:$0xc] =	wrdreg s30;
	v3 =	vor.u32 $0x4000, v1;
	v5 =	vsel vm3, $0x3180, v5;
	v6 =	vsel vm3, $0x5180, v6  }
.Ltmp0:
0x19: {  	[dreg:$0xd] =	wrdreg s31;
	s24 =	simm.s32 $0x10;
	v7 =	vsel vm3, $0x7180, v7;
	v4 =	vsel vm2, $0x1200, v4;
	v5 =	vsel vm2, $0x3200, v5;
	(pc) =	sbr.rel .LBB2_1-.Ltmp0, $4  }
0x1a: {  	s25 =	simm.s32 $0x1E200;
	s22 =	sshrl.u32 s0, $0x1;
	s23 =	sshll.u32 s3, $0x9;
	v6 =	vsel vm2, $0x5200, v6;
	v9 =	vsel vm2, $0x7200, v7;
	v4 =	vsel vm1, $0x1280, v4  }
0x1b: {  	[dreg:$0x5] =	wrdreg s3;
	s0 =	ssub.s32 s0, s22;
	s1 =	sadd.s32 s4, s23;
	v5 =	vsel vm1, $0x3280, v5;
	v8 =	vsel vm1, $0x5280, v6;
	v6 =	vor.u32 $0x10, v1  }
0x1c: {  	s26 =	simm.s32 $0x2;
	[dreg:$0x6] =	wrdreg s1;
	s0 =	smax.u32 s0, $0x1;
	v9 =	vsel vm1, $0x7280, v9;
	v4 =	vsel vm0, $0x1300, v4;
	v5 =	vsel vm0, $0x3300, v5  }
0x1d: {  	s22 =	simm.s32 $0x1;
	s23 =	simm.s32 $0x1D200;
	[dreg:$0x8] =	wrdreg s0;
	v7 =	vsel vm0, $0x5300, v8;
	v8 =	vor.u32 $0x20, v1;
	v9 =	vsel vm0, $0x7300, v9  }
.LBB2_33:
0x1e: {  	p0 =	slt.s32 s8, $0x1  }
0x1f: {  	s0 =	simm.s32 @!p0 $0x3  }
0x20: {  	_ =	swait.ge @!p0 [sflag:s0], $0x800  }
0x21: {  	p1 =	slt.s32 s1, $0x1;
	[sflag:s0] =	ssyncset.done @!p0 $0x0  }
0x22: {  	[sflag:s0] =	ssyncadd.s32 @!p0 $0xFFFFF800;
	s0 =	simm.s32 @!p1 $0x4  }
0x23: {  	_ =	swait.ge @!p1 [sflag:s0], $0x800  }
0x24: {  	[sflag:s0] =	ssyncset.done @!p1 $0x0  }
0x25: {  	[sflag:s0] =	ssyncadd.s32 @!p1 $0xFFFFF800  }
0x26: {  	v11 =	vld [tilespmem:$0x1E300];
	_ =	sdelay $0x3  }
0x27: {  	p0 =	sgt.u32 s5, $0xF  }
0x28: {  	s1 =	simm.s32 @p0 $0x1E280;
	s2 =	simm.s32 @p0 $0x1DA00;
	s0 =	simm.s32 @p0 $0x10;
	[tilespmem:$0x1E280] =	vst @p0 v11  }
0x29: {  	[hbm4b:s7+s0] =	stream.indirect.scatter @p0 [tilespmem:s2], [sflag:$0x4], $0x80, s1, s0, $0xb8;
	[tilespmem:$0x1E400] =	vst v63  }
0x2a: {  	s0 =	simm.s32 @!p0 $0x10;
	s1 =	simm.s32 @!p0 $0x1E200;
	s2 =	simm.s32 @!p0 $0x1D200;
	[tilespmem:$0x1E200] =	vst @!p0 v11  }
0x2b: {  	[hbm4b:s7+s0] =	stream.indirect.scatter @!p0 [tilespmem:s2], [sflag:$0x3], $0x80, s1, s0, $0xb8;
	[tilespmem:$0x1E400] =	vst v63  }
0x2c: {  	s0 =	simm.s32 @!p0 $0x3  }
0x2d: {  	s0 =	simm.s32 @p0 $0x4  }
0x2e: {  	_ =	swait.ge [sflag:s0], $0x800  }
0x2f: {  	s30 =	rddreg [dreg:$0xe]  }
0x30: {  	s31 =	rddreg [dreg:$0x8];
	s2 =	sadd.s32 $0x1, s30  }
0x31: {  	p0 =	sne.s32 s2, s31  }
.Ltmp1:
0x32: {  	_ = 	snop;
	(pc) =	sbr.rel @!p0 .LBB2_34-.Ltmp1, $3  }
0x33: {  	_ =	sdelay $0x1  }
0x34: {  	[sflag:s0] =	ssyncset.done $0x0  }
0x35: {  	[sflag:s0] =	ssyncadd.s32 $0xFFFFF800  }
.LBB2_1:
0x36: {  	[dreg:$0xe] =	wrdreg s2  }
0x37: {  	s0 =	rddreg [dreg:$0x0];
	s1 =	simm.s32 $0x0;
	s31 =	simm.s32 $0x5  }
0x38: {  	[tilespmem:s1], [sflag:$0x5] =	stream.linear.gather [hbm4b:s0+s1], $0x4000, $0x38;
	[tilespmem:$0x1E400] =	vst v63  }
0x39: {  	_ =	swait.ge [sflag:s31], $0x4000  }
0x3a: {  	[sflag:s31] =	ssyncset.done $0x0  }
0x3b: {  	[sflag:s31] =	ssyncadd.s32 $0xFFFFC000  }
0x3c: {  	v11 =	vld [tilespmem:s1+$0x0];
	_ =	sdelay $0x4  }
0x3d: {  	v12 =	vshrl.u32 v11, $0x9  }
0x3e: {  	v12 =	vand.u32 $0x1F, v12  }
0x3f: {  	vm0 =	veq.s32 v12, v0  }
0x40: {  	v12 =	vsel vm0, $0x1, v2  }
0x41: {  	(xrf0) =	vadd.scan.msk.s32 $0xffff, v12;
	_ =	sdelay $0x5  }
0x42: {  	[tilespmem:s1+$0x4000] =	vst.msk vm0, v11;
	v11, _, _ =	vpop (xrf0)  }
0x43: {  	v63 =	vor.u32 s1, v1;
	(v2sf) =	vpush v11, $0xF  }
0x44: {  	s0 =	simm.s32 $0x10;
	[tilespmem:s1+$0x8080] =	vst.msk vm0, v63  }
0x45: {  	s2 =	simm.s32 $0x20;
	s3 =	simm.s32 $0x10;
	s1 =	simm.s32 $0x0;
	v11 =	vld [tilespmem:s0+$0x0]  }
.LBB2_2:
0x46: {  	p0 =	sne.s32 s2, $0x3FF0;
	_ =	sdelay $0x3  }
0x47: {  	v12 =	vshrl.u32 v11, $0x9  }
0x48: {  	v12 =	vand.u32 $0x1F, v12  }
0x49: {  	vm0 =	veq.s32 v12, v0  }
0x4a: {  	v12 =	vsel vm0, $0x1, v2  }
0x4b: {  	(xrf0) =	vadd.scan.msk.s32 $0xffff, v12;
	_ =	sdelay $0x3  }
0x4c: {  	s4 =	spop (v2sf)  }
.Ltmp2:
0x4d: {  	s1 =	sadd.s32 s1, s4;
	(pc) =	sbr.rel @p0 .LBB2_2-.Ltmp2, $4  }
0x4e: {  	v12 =	vor.u32 s0, v1;
	s0 =	smov.u32 s2;
	[tilespmem:s1+$0x4000] =	vst.msk vm0, v11;
	v11, _, _ =	vpop (xrf0)  }
0x4f: {  	[tilespmem:s1+$0x8080] =	vst.msk vm0, v12;
	(v2sf) =	vpush v11, $0xF  }
0x50: {  	s3 =	sadd.s32 $0x10, s3  }
0x51: {  	s2 =	sadd.s32 $0x10, s2;
	v11 =	vld [tilespmem:s3+$0x0]  }
0x52: {  	_ =	sdelay $0x3  }
0x53: {  	v12 =	vshrl.u32 v11, $0x9  }
0x54: {  	v12 =	vand.u32 $0x1F, v12  }
0x55: {  	vm0 =	veq.s32 v12, v0  }
0x56: {  	v12 =	vsel vm0, $0x1, v2  }
0x57: {  	(xrf0) =	vadd.scan.msk.s32 $0xffff, v12;
	_ =	sdelay $0x5  }
0x58: {  	v12, _, _ =	vpop (xrf0)  }
0x59: {  	(v2sf) =	vpush v12, $0xF;
	_ =	sdelay $0x8  }
0x5a: {  	s2 =	spop (v2sf)  }
0x5b: {  	s2 =	sadd.s32 s1, s2  }
0x5c: {  	v63 =	vor.u32 s0, v1;
	[tilespmem:s2+$0x4000] =	vst.msk vm0, v11  }
0x5d: {  	[tilespmem:s2+$0x8080] =	vst.msk vm0, v63  }
0x5e: {  	s29 =	rddreg [dreg:$0x6];
	s30 =	simm.s32 $0x1000;
	s4 =	simm.s32 $0x7A1400;
	[tilespmem:$0x1E300] =	vst v3  }
0x5f: {  	[tilespmem:s21], [sflag:$0x1] =	stream.strided.gather [hbm4b:s29+s30], $0x8000, s4, s30, $0x38;
	[tilespmem:$0x1E400] =	vst v63  }
0x60: {  	s3 =	spop (v2sf)  }
0x61: {  	s19 =	sadd.s32 s2, s3  }
0x62: {  	s20 =	sadd.s32 $0xF, s19  }
.Ltmp3:
0x63: {  	s1 =	simm.s32 $0x0;
	s31 =	sshra.s32 s20, $0x4;
	(pc) =	sbr.rel .LBB2_4-.Ltmp3, $4  }
0x64: {  	s8 =	simm.s32 $0x0;
	[smem:$0x0] =	sst s1;
	p0 =	slt.s32 s31, $0xFFFFFFFF  }
0x65: {  	s11 =	simm.s32 $0x0;
	[smem:$0x1] =	sst s1;
	s2 =	simm.s32 @!p0 $0x0  }
0x66: {  	s5 =	simm.s32 $0x0;
	[smem:$0x2] =	sst s1;
	s2 =	simm.s32 @p0 $0x1  }
0x67: {  	s0 =	simm.s32 $0x0;
	v11 =	vmov s19;
	[smem:$0x7FD] =	sst s2;
	s2 =	simm.s32 $0x0  }
.LBB2_21:
0x68: {  	s5 =	smov.u32 @p1 s5;
	s11 =	smov.u32 @p1 s11  }
0x69: {  	s2 =	smov.u32 @p1 s2;
	s8 =	smov.u32 @p1 s8;
	s1 =	smov.u32 @p1 s1  }
.LBB2_32:
0x6a: {  	s0 =	sadd.s32 $0x1, s0  }
0x6b: {  	p0 =	sne.s32 s0, $0x1F  }
.Ltmp4:
0x6c: {  	_ = 	snop;
	(pc) =	sbr.rel @!p0 .LBB2_33-.Ltmp4, $1  }
0x6d: {  	_ =	sdelay $0x3  }
.LBB2_4:
0x6e: {  	s3 =	sshll.u32 s0, $0x6;
	s4 =	rddreg [dreg:$0x5]  }
0x6f: {  	s6 =	sor.u32 s4, s3  }
0x70: {  	s18 =	sor.u32 $0x20, s6  }
0x71: {  	p0 =	sgt.u32 s18, $0x7A0  }
0x72: {  	p3 =	sne.s32 @p0 s6, $0x781  }
0x73: {  	p2 =	por p3, !p0  }
0x74: {  	s9 =	rddreg [dreg:$0x2];
	s3 =	simm.s32 @!p2 $0x0;
	s4 =	simm.s32 @!p2 $0x15200  }
0x75: {  	[tilespmem:s4], [sflag:$0x2] =	stream.linear.gather @!p2 [hbm4b:s9+s3], $0x400, $0x38;
	[tilespmem:$0x1E400] =	vst v63  }
0x76: {  	s4 =	simm.s32 @!p2 $0x16200;
	s9 =	rddreg [dreg:$0x9]  }
0x77: {  	[tilespmem:s4], [sflag:$0x2] =	stream.linear.gather @!p2 [hbm4b:s9+s3], $0x400, $0x38;
	[tilespmem:$0x1E400] =	vst v63  }
0x78: {  	s4 =	simm.s32 @!p2 $0x17200;
	s9 =	rddreg [dreg:$0xa]  }
0x79: {  	[tilespmem:s4], [sflag:$0x2] =	stream.linear.gather @!p2 [hbm4b:s9+s3], $0x400, $0x38;
	[tilespmem:$0x1E400] =	vst v63  }
0x7a: {  	s4 =	simm.s32 @!p2 $0x18200;
	s9 =	rddreg [dreg:$0xb]  }
0x7b: {  	[tilespmem:s4], [sflag:$0x2] =	stream.linear.gather @!p2 [hbm4b:s9+s3], $0x400, $0x38;
	[tilespmem:$0x1E400] =	vst v63  }
0x7c: {  	s19 =	simm.s32 $0x0;
	s4 =	simm.s32 @!p2 $0x19200;
	s9 =	rddreg [dreg:$0xc]  }
0x7d: {  	[tilespmem:s4], [sflag:$0x2] =	stream.linear.gather @!p2 [hbm4b:s9+s3], $0x400, $0x38;
	[tilespmem:$0x1E400] =	vst v63  }
0x7e: {  	s29 =	sshll.u32 s6, $0x9;
	s4 =	simm.s32 @!p2 $0x1A200;
	s9 =	rddreg [dreg:$0xd]  }
0x7f: {  	[tilespmem:s4], [sflag:$0x2] =	stream.linear.gather @!p2 [hbm4b:s9+s3], $0x400, $0x38;
	[tilespmem:$0x1E400] =	vst v63  }
0x80: {  	p4 =	por @p0 $0x0, $0x0;
	s10 =	simm.s32 @!p0 $0x15200;
	s4 =	simm.s32 @!p2 $0x1B200  }
0x81: {  	[tilespmem:s4], [sflag:$0x2] =	stream.linear.gather @!p2 [hbm4b:s16+s3], $0x400, $0x38;
	[tilespmem:$0x1E400] =	vst v63  }
0x82: {  	p3 =	por !p3, !p0;
	s9 =	simm.s32 @!p0 $0x7A1400;
	s4 =	simm.s32 @!p2 $0x1C200  }
0x83: {  	[tilespmem:s4], [sflag:$0x2] =	stream.linear.gather @!p2 [hbm4b:s17+s3], $0x400, $0x38;
	[tilespmem:$0x1E400] =	vst v63  }
0x84: {  	s3 =	sshll.u32 @!p0 s18, $0x9;
	p2 =	por @!p2 $0x1, $0x1;
	s4 =	rddreg [dreg:$0x1]  }
.Ltmp5:
0x85: {  	s3 =	sadd.s32 @!p0 s4, s3;
	s4 =	simm.s32 @!p0 $0x1000;
	(pc) =	sbr.rel .LBB2_5-.Ltmp5, $4  }
0x86: {  	[tilespmem:s10], [sflag:$0x2] =	stream.strided.gather @!p0 [hbm4b:s3+s4], $0x8000, s9, s4, $0x38;
	[tilespmem:$0x1E400] =	vst v63  }
0x87: {  	p2 =	por @!p3 p4, p4;
	s3 =	simm.s32 @!p0 $0x0;
	_ =	swait.ge [sflag:s22], $0x8000  }
0x88: {  	p3 =	por @!p0 $0x0, $0x0;
	s3 =	simm.s32 @p0 $0x1;
	[sflag:s22] =	ssyncset.done $0x0  }
0x89: {  	v12 =	vmov s6;
	v13 =	vmov s29;
	p2 =	por @!p0 p3, p3;
	[smem:$0x7FC] =	sst s3;
	[sflag:s22] =	ssyncadd.s32 $0xFFFF8000  }
.LBB2_14:
0x8a: {  	p0 =	seq.s32 s20, $0x800  }
.Ltmp6:
0x8b: {  	_ = 	snop;
	(pc) =	sbr.rel @!p0 .LBB2_15-.Ltmp6, $2  }
0x8c: {  	_ =	sdelay $0x2  }
0x8d: {  	s19 =	sadd.s32 s19, s20;
	p2 =	por p1, p1  }
.LBB2_5:
0x8e: {  	s3 =	sld [smem:$0x7FD];
	_ =	sdelay $0x2  }
0x8f: {  	p0 =	seq.s32 s3, $0x1  }
.Ltmp7:
0x90: {  	_ = 	snop;
	(pc) =	sbr.rel @p0 .LBB2_15-.Ltmp7, $1  }
0x91: {  	_ =	sdelay $0x3  }
0x92: {  	s9 =	simm.s32 $0x4000  }
0x93: {  	v16 =	vld [tilespmem:s9+$0x0];
	_ =	sdelay $0x2  }
0x94: {  	s3 =	sadd.s32 $0x800, s19  }
0x95: {  	v15 =	vmov s3;
	s3 =	simm.s32 $0x0  }
0x96: {  	v18 =	vor.u32 s3, v1;
	v17 =	vshra.s32 v16, $0x9  }
0x97: {  	vm1 =	vlt.s32 v18, v11;
	vm0 =	veq.s32 v17, v12  }
0x98: {  	vm0 =	vmand vm1, vm0  }
0x99: {  	v17 =	vsel vm0, $0x1, v2  }
0x9a: {  	(xrf0) =	vadd.scan.msk.s32 $0xffff, v17;
	_ =	sdelay $0x2  }
0x9b: {  	v17 =	vmov s3  }
0x9c: {  	v17 =	vadd.s32 $0xFFFFFFFF, v17  }
0x9d: {  	v17 =	vbroadcast v17, $0x0  }
0x9e: {  	v63, _, _ =	vpop (xrf0)  }
0x9f: {  	v14 =	vmov s19;
	s4 =	simm.s32 $0x8080;
	v17 =	vadd.s32 v63, v17;
	(v2sf) =	vpush v63, $0xF  }
0xa0: {  	p3 =	slt.s32 s31, $0x0;
	v19 =	vld [tilespmem:s4+$0x0];
	vm15 =	vge.s32 v17, v14;
	vm2 =	vlt.s32 v17, v15  }
.Ltmp8:
0xa1: {  	vm1 =	vmand vm15, vm2;
	(pc) =	sbr.rel @p3 .LBB2_8-.Ltmp8, $4  }
0xa2: {  	v16 =	vsub.s32 v16, v13;
	vm0 =	vmand vm0, vm1  }
0xa3: {  	[tilespmem:s3+$0xC100] =	vst.msk vm0, v16;
	v16 =	vsel vm0, $0x1, v2  }
0xa4: {  	s10 =	simm.s32 $0x0;
	s20 =	simm.s32 $0x4010;
	(xrf0) =	vadd.scan.msk.s32 $0xffff, v16  }
0xa5: {  	s30 =	simm.s32 $0x0;
	s12 =	simm.s32 $0x0;
	s9 =	simm.s32 $0x0;
	[tilespmem:s3+$0xC980] =	vst.msk vm0, v19  }
.LBB2_7:
0xa6: {  	s9 =	smov.u32 s3  }
0xa7: {  	s10 =	sadd.s32 $0x1, s10;
	v16 =	vld [tilespmem:s20+$0x0]  }
0xa8: {  	p3 =	slt.s32 s31, s10;
	_ =	sdelay $0x1  }
0xa9: {  	v17, _, _ =	vpop (xrf0)  }
0xaa: {  	s30 =	sadd.s32 $0x10, s30;
	(v2sf) =	vpush v17, $0xF  }
0xab: {  	v18 =	vor.u32 s30, v1;
	v17 =	vshra.s32 v16, $0x9;
	v16 =	vsub.s32 v16, v13  }
0xac: {  	vm1 =	vlt.s32 v18, v11;
	vm0 =	veq.s32 v17, v12  }
0xad: {  	vm0 =	vmand vm1, vm0;
	s13 =	spop (v2sf)  }
0xae: {  	v17 =	vsel vm0, $0x1, v2;
	s12 =	sadd.s32 s12, s13  }
0xaf: {  	(xrf0) =	vadd.scan.msk.s32 $0xffff, v17;
	_ =	sdelay $0x2  }
0xb0: {  	v17 =	vmov s12  }
0xb1: {  	v17 =	vadd.s32 $0xFFFFFFFF, v17  }
0xb2: {  	v17 =	vbroadcast v17, $0x0  }
0xb3: {  	v18, _, _ =	vpop (xrf0)  }
0xb4: {  	s4 =	sadd.s32 $0x10, s4;
	v17 =	vadd.s32 v18, v17;
	(v2sf) =	vpush v18, $0xF  }
0xb5: {  	v18 =	vld [tilespmem:s4+$0x0];
	vm1 =	vge.s32 v17, v14;
	vm2 =	vlt.s32 v17, v15  }
0xb6: {  	vm1 =	vmand vm1, vm2  }
.Ltmp9:
0xb7: {  	vm0 =	vmand vm0, vm1;
	s13 =	spop (v2sf);
	(pc) =	sbr.rel @!p3 .LBB2_7-.Ltmp9, $4  }
0xb8: {  	v17 =	vsel vm0, $0x1, v2;
	s3 =	sadd.s32 s3, s13  }
0xb9: {  	[tilespmem:s3+$0xC100] =	vst.msk vm0, v16;
	(xrf0) =	vadd.scan.msk.s32 $0xffff, v17  }
0xba: {  	[tilespmem:s3+$0xC980] =	vst.msk vm0, v18  }
0xbb: {  	s20 =	sadd.s32 $0x10, s20  }
.LBB2_8:
0xbc: {  	_ =	sdelay $0x3  }
0xbd: {  	v14, _, _ =	vpop (xrf0)  }
0xbe: {  	(v2sf) =	vpush v14, $0xF;
	_ =	sdelay $0xd  }
0xbf: {  	s4 =	spop (v2sf)  }
0xc0: {  	s4 =	spop (v2sf)  }
0xc1: {  	s20 =	sadd.s32 s3, s4  }
0xc2: {  	p3 =	slt.s32 s20, $0x1  }
.Ltmp10:
0xc3: {  	_ = 	snop;
	(pc) =	sbr.rel @p3 .LBB2_15-.Ltmp10, $1  }
0xc4: {  	_ =	sdelay $0x3  }
.Ltmp11:
0xc5: {  	(pc) =	sbr.rel .LBB2_10-.Ltmp11, $3  }
0xc6: {  	_ =	sdelay $0x1  }
0xc7: {  	p1 =	por p2, p2;
	s3 =	sadd.s32 s9, s4;
	s4 =	simm.s32 $0xC980  }
0xc8: {  	s9 =	simm.s32 $0xC100;
	s30 =	smov.u32 s2;
	s10 =	smov.u32 s11  }
.LBB2_12:
0xc9: {  	p6 =	sne.s32 @!p5 s12, $0x1  }
0xca: {  	p0 =	por !p4, p3;
	s15 =	smov.u32 s8;
	p4 =	por p6, p5  }
0xcb: {  	s15 =	simm.s32 @p0 $0x0;
	s12 =	simm.s32 @!p4 $0x10  }
0xcc: {  	[tilespmem:$0x1E280] =	vst @!p4 v14;
	s13 =	simm.s32 @!p4 $0x1E280;
	s14 =	simm.s32 @!p4 $0x1DA00;
	s15 =	smov.u32 @p3 s8  }
0xcd: {  	[hbm4b:s7+s12] =	stream.indirect.scatter @!p4 [tilespmem:s14], [sflag:$0x4], $0x80, s13, s12, $0xb8;
	[tilespmem:$0x1E400] =	vst v63  }
0xce: {  	s8 =	smov.u32 s1;
	s12 =	smov.u32 s11;
	s13 =	smov.u32 s10  }
0xcf: {  	s14 =	smov.u32 s30;
	s12 =	simm.s32 @p0 $0x0;
	s13 =	simm.s32 @p0 $0x0  }
0xd0: {  	p0 =	por !p6, p5;
	s12 =	smov.u32 @p3 s11;
	s13 =	smov.u32 @p3 s10  }
0xd1: {  	s10 =	smov.u32 s2;
	s8 =	simm.s32 @p0 $0x1;
	s14 =	simm.s32 @p0 $0x1  }
0xd2: {  	s10 =	simm.s32 @p0 $0x1;
	s8 =	smov.u32 @p5 s1;
	s1 =	simm.s32 @!p4 $0x1  }
0xd3: {  	s14 =	smov.u32 @p5 s30;
	s11 =	smov.u32 s12;
	s10 =	smov.u32 @p5 s2  }
0xd4: {  	[smem:$0x2] =	sst @!p4 s1;
	s1 =	smov.u32 s8;
	s8 =	smov.u32 s15  }
0xd5: {  	s30 =	smov.u32 s14;
	s2 =	smov.u32 s10;
	s10 =	smov.u32 s13  }
.LBB2_13:
0xd6: {  	s3 =	sadd.s32 $0xFFFFFFFF, s3  }
0xd7: {  	p0 =	sne.s32 s3, $0x0  }
.Ltmp12:
0xd8: {  	_ = 	snop;
	(pc) =	sbr.rel @!p0 .LBB2_14-.Ltmp12, $4  }
0xd9: {  	_ = 	snop  }
0xda: {  	s5 =	sadd.s32 $0x1, s5  }
0xdb: {  	s5 =	sand.u32 $0x1F, s5  }
0xdc: {  	s4 =	sadd.s32 $0x1, s4;
	s9 =	sadd.s32 $0x1, s9;
	[smem:$0x0] =	sst s5  }
.LBB2_10:
0xdd: {  	v14 =	vld.msk [tilespmem:s9+$0x0 ss:$0x0], $0xffff  }
0xde: {  	s13 =	sand.u32 $0xF, s5;
	s12 =	sshra.s32 s5, $0x4  }
0xdf: {  	p3 =	slt.s32 s10, $0x1;
	s14 =	sor.u32 s12, s13  }
0xe0: {  	p4 =	sne.s32 @!p3 s14, $0x0  }
0xe1: {  	p6 =	seq.s32 s13, $0x0;
	p0 =	seq.s32 s12, $0x1;
	p5 =	por p4, p3  }
0xe2: {  	p0 =	por !p6, !p0;
	s14 =	simm.s32 @!p5 $0x3;
	v16 =	vshll.u32 v14, $0x3  }
0xe3: {  	v15 =	vld [tilespmem:s4+$0x0];
	p2 =	sgt.s32 s30, $0x0;
	p0 =	por !p0, !p0;
	_ =	swait.ge @!p5 [sflag:s14], $0x800;
	v14 =	vand.u32 $0x7F, v14;
	v16 =	vand.u32 $0xFFFFFC00, v16  }
0xe4: {  	p0 =	por !p0, !p2;
	[sflag:s14] =	ssyncset.done @!p5 $0x0;
	v14 =	vor.u32 v14, v16  }
0xe5: {  	p6 =	por !p0, !p0;
	[sflag:s14] =	ssyncadd.s32 @!p5 $0xFFFFF800;
	s14 =	simm.s32 @!p5 $0x0;
	v16 =	vadd.s32 v4, v14  }
0xe6: {  	[smem:$0x1] =	sst @!p5 s14;
	s14 =	simm.s32 @p6 $0x4  }
0xe7: {  	_ =	swait.ge @p6 [sflag:s14], $0x800  }
0xe8: {  	s15 =	sand.u32 $0x1F, s5;
	[sflag:s14] =	ssyncset.done @p6 $0x0  }
0xe9: {  	s15 =	sshll.u32 s15, $0x7;
	[sflag:s14] =	ssyncadd.s32 @p6 $0xFFFFF800  }
0xea: {  	v17 =	vor.u32 s15, v1;
	v16 =	vld.idx.msk [tilespmem:v16+s21+$0x0], $0xffff  }
0xeb: {  	v18 =	vadd.s32 v5, v14;
	_ =	sdelay $0x3  }
0xec: {  	[tilespmem:v17+s23+$0x0] =	vst.idx.msk $0xffff, v16  }
0xed: {  	v59 =	vor.u32 s15, v6;
	v16 =	vld.idx.msk [tilespmem:v18+s21+$0x0], $0xffff  }
0xee: {  	v60 =	vadd.s32 v7, v14;
	_ =	sdelay $0x3  }
0xef: {  	[tilespmem:v59+s23+$0x0] =	vst.idx.msk $0xffff, v16  }
0xf0: {  	v61 =	vor.u32 s15, v8;
	v16 =	vld.idx.msk [tilespmem:v60+s21+$0x0], $0xffff  }
0xf1: {  	v14 =	vadd.s32 v9, v14;
	_ =	sdelay $0x3  }
0xf2: {  	[tilespmem:v61+s23+$0x0] =	vst.idx.msk $0xffff, v16  }
0xf3: {  	v62 =	vor.u32 s15, v10;
	v14 =	vld.idx.msk [tilespmem:v14+s21+$0x0], $0xffff;
	_ =	sdelay $0x4  }
0xf4: {  	[tilespmem:v62+s23+$0x0] =	vst.idx.msk $0xffff, v14  }
0xf5: {  	v14 =	vld [tilespmem:$0x1E300];
	_ =	sdelay $0x2  }
0xf6: {  	v63 =	vmov s13;
	v15 =	vbroadcast v15, $0x0  }
0xf7: {  	vm0 =	veq.s32 v63, v1;
	p5 =	sne.s32 s13, $0xF  }
0xf8: {  	p0 =	seq.s32 s13, $0xF;
	p2 =	sne.s32 @!p5 s12, $0x0;
	v14 =	vsel vm0, v15, v14  }
0xf9: {  	v15 =	vpsel p0, v3, v14;
	p0 =	por p5, p2  }
.Ltmp13:
0xfa: {  	_ = 	snop;
	(pc) =	sbr.rel @p0 .LBB2_12-.Ltmp13, $3  }
0xfb: {  	_ =	sdelay $0x1  }
0xfc: {  	s1 =	simm.s32 @p6 $0x0;
	s14 =	simm.s32 @p6 $0x0  }
0xfd: {  	s2 =	simm.s32 @p6 $0x0;
	s30 =	simm.s32 @p6 $0x0;
	[smem:$0x2] =	sst @p6 s14;
	[tilespmem:$0x1E300] =	vst v15  }
.Ltmp14:
0xfe: {  	(pc) =	sbr.rel .LBB2_13-.Ltmp14, $4  }
0xff: {  	_ = 	snop  }
0x100: {  	[tilespmem:$0x1E200] =	vst v14;
	s8 =	simm.s32 $0x1  }
0x101: {  	[hbm4b:s7+s24] =	stream.indirect.scatter [tilespmem:s23], [sflag:$0x3], $0x80, s25, s24, $0xb8;
	[tilespmem:$0x1E400] =	vst v63  }
0x102: {  	s11 =	simm.s32 $0x1;
	s10 =	simm.s32 $0x1;
	[smem:$0x1] =	sst s8  }
.LBB2_15:
0x103: {  	p0 =	sgt.u32 s6, $0x760  }
.Ltmp15:
0x104: {  	_ = 	snop;
	(pc) =	sbr.rel @p0 .LBB2_17-.Ltmp15, $1  }
0x105: {  	_ =	sdelay $0x3  }
.Ltmp16:
0x106: {  	(pc) =	sbr.rel .LBB2_18-.Ltmp16, $4  }
0x107: {  	_ = 	snop  }
0x108: {  	s3 =	rddreg [dreg:$0x7]  }
0x109: {  	s4 =	simm.s32 $0x1000;
	s6 =	simm.s32 $0x7A1400;
	s3 =	sadd.s32 s29, s3  }
0x10a: {  	[tilespmem:s21], [sflag:$0x1] =	stream.strided.gather [hbm4b:s3+s4], $0x8000, s6, s4, $0x38;
	[tilespmem:$0x1E400] =	vst v63  }
.LBB2_17:
0x10b: {  	s3 =	sld [smem:$0x7FC];
	_ =	sdelay $0x2  }
0x10c: {  	p0 =	seq.s32 s3, $0x1  }
.Ltmp17:
0x10d: {  	_ = 	snop;
	(pc) =	sbr.rel @p0 .LBB2_19-.Ltmp17, $1  }
0x10e: {  	_ =	sdelay $0x3  }
.LBB2_18:
0x10f: {  	_ =	swait.ge [sflag:s26], $0x8000  }
0x110: {  	[sflag:s26] =	ssyncset.done $0x0  }
0x111: {  	[sflag:s26] =	ssyncadd.s32 $0xFFFF8000  }
.LBB2_19:
0x112: {  	p1 =	sgt.u32 s18, $0x7A1  }
0x113: {  	p0 =	sgt.s32 @!p1 s31, $0xFFFFFFFE  }
0x114: {  	p0 =	por p1, !p0  }
.Ltmp18:
0x115: {  	_ = 	snop;
	(pc) =	sbr.rel @p0 .LBB2_21-.Ltmp18, $4  }
0x116: {  	s3 =	simm.s32 @p2 $0x2  }
0x117: {  	_ =	swait.ge @p2 [sflag:s3], $0x2000  }
0x118: {  	[sflag:s3] =	ssyncset.done @p2 $0x0  }
0x119: {  	[sflag:s3] =	ssyncadd.s32 @p2 $0xFFFFE000  }
0x11a: {  	s3 =	sshll.u32 s18, $0x9  }
0x11b: {  	s3 =	simm.s32 @p2 $0xF41C0  }
0x11c: {  	v12 =	vmov s18;
	s6 =	simm.s32 $0x0;
	s18 =	simm.s32 $0x0;
	v13 =	vmov s3  }
.LBB2_23:
0x11d: {  	s4 =	simm.s32 $0x4000  }
0x11e: {  	v16 =	vld [tilespmem:s4+$0x0];
	_ =	sdelay $0x4  }
0x11f: {  	v18 =	vor.u32 s6, v1;
	v17 =	vshra.s32 v16, $0x9  }
0x120: {  	vm1 =	vlt.s32 v18, v11;
	vm0 =	veq.s32 v17, v12  }
0x121: {  	vm0 =	vmand vm1, vm0  }
0x122: {  	v17 =	vsel vm0, $0x1, v2  }
0x123: {  	(xrf0) =	vadd.scan.msk.s32 $0xffff, v17;
	_ =	sdelay $0x2  }
0x124: {  	v17 =	vmov s6  }
0x125: {  	v17 =	vadd.s32 $0xFFFFFFFF, v17  }
0x126: {  	v17 =	vbroadcast v17, $0x0  }
0x127: {  	s3 =	sadd.s32 $0x800, s18;
	v14 =	vmov s18;
	v63, _, _ =	vpop (xrf0)  }
0x128: {  	v15 =	vmov s3;
	s3 =	simm.s32 $0x8080;
	v17 =	vadd.s32 v63, v17;
	(v2sf) =	vpush v63, $0xF  }
0x129: {  	p0 =	slt.s32 s31, $0x0;
	v19 =	vld [tilespmem:s3+$0x0];
	vm15 =	vge.s32 v17, v14;
	vm2 =	vlt.s32 v17, v15  }
.Ltmp19:
0x12a: {  	vm1 =	vmand vm15, vm2;
	(pc) =	sbr.rel @p0 .LBB2_25-.Ltmp19, $4  }
0x12b: {  	v16 =	vsub.s32 v16, v13;
	vm0 =	vmand vm0, vm1  }
0x12c: {  	[tilespmem:s6+$0xC100] =	vst.msk vm0, v16;
	v16 =	vsel vm0, $0x1, v2  }
0x12d: {  	s19 =	simm.s32 $0x4010;
	s9 =	simm.s32 $0x0;
	s20 =	simm.s32 $0x0;
	(xrf0) =	vadd.scan.msk.s32 $0xffff, v16  }
0x12e: {  	s12 =	simm.s32 $0x0;
	s10 =	simm.s32 $0x0;
	s4 =	simm.s32 $0x0;
	[tilespmem:s6+$0xC980] =	vst.msk vm0, v19  }
.LBB2_24:
0x12f: {  	s10 =	smov.u32 s9  }
0x130: {  	s4 =	sadd.s32 $0x1, s4;
	v16 =	vld [tilespmem:s19+$0x0]  }
0x131: {  	p1 =	slt.s32 s31, s4;
	_ =	sdelay $0x1  }
0x132: {  	v17, _, _ =	vpop (xrf0)  }
0x133: {  	s20 =	sadd.s32 $0x10, s20;
	(v2sf) =	vpush v17, $0xF  }
0x134: {  	v18 =	vor.u32 s20, v1;
	v17 =	vshra.s32 v16, $0x9;
	v16 =	vsub.s32 v16, v13  }
0x135: {  	vm1 =	vlt.s32 v18, v11;
	vm0 =	veq.s32 v17, v12  }
0x136: {  	vm0 =	vmand vm1, vm0;
	s13 =	spop (v2sf)  }
0x137: {  	v17 =	vsel vm0, $0x1, v2;
	s12 =	sadd.s32 s12, s13  }
0x138: {  	(xrf0) =	vadd.scan.msk.s32 $0xffff, v17;
	_ =	sdelay $0x2  }
0x139: {  	v17 =	vmov s12  }
0x13a: {  	v17 =	vadd.s32 $0xFFFFFFFF, v17  }
0x13b: {  	v17 =	vbroadcast v17, $0x0  }
0x13c: {  	v18, _, _ =	vpop (xrf0)  }
0x13d: {  	s3 =	sadd.s32 $0x10, s3;
	v17 =	vadd.s32 v18, v17;
	(v2sf) =	vpush v18, $0xF  }
0x13e: {  	v18 =	vld [tilespmem:s3+$0x0];
	vm1 =	vge.s32 v17, v14;
	vm2 =	vlt.s32 v17, v15  }
0x13f: {  	vm1 =	vmand vm1, vm2  }
.Ltmp20:
0x140: {  	vm0 =	vmand vm0, vm1;
	s13 =	spop (v2sf);
	(pc) =	sbr.rel @!p1 .LBB2_24-.Ltmp20, $4  }
0x141: {  	v17 =	vsel vm0, $0x1, v2;
	s9 =	sadd.s32 s9, s13  }
0x142: {  	[tilespmem:s9+$0xC100] =	vst.msk vm0, v16;
	(xrf0) =	vadd.scan.msk.s32 $0xffff, v17  }
0x143: {  	[tilespmem:s9+$0xC980] =	vst.msk vm0, v18  }
0x144: {  	s19 =	sadd.s32 $0x10, s19  }
.LBB2_25:
0x145: {  	_ =	sdelay $0x3  }
0x146: {  	v14, _, _ =	vpop (xrf0)  }
0x147: {  	(v2sf) =	vpush v14, $0xF;
	_ =	sdelay $0xd  }
0x148: {  	s3 =	spop (v2sf)  }
0x149: {  	s4 =	spop (v2sf)  }
0x14a: {  	s3 =	sadd.s32 s9, s4  }
0x14b: {  	p0 =	slt.s32 s3, $0x1  }
.Ltmp21:
0x14c: {  	_ = 	snop;
	(pc) =	sbr.rel @p0 .LBB2_32-.Ltmp21, $1  }
0x14d: {  	_ =	sdelay $0x3  }
.Ltmp22:
0x14e: {  	(pc) =	sbr.rel .LBB2_27-.Ltmp22, $3  }
0x14f: {  	_ =	sdelay $0x1  }
0x150: {  	s4 =	sadd.s32 s10, s4;
	s9 =	simm.s32 $0xC980  }
0x151: {  	s19 =	simm.s32 $0xC100;
	s2 =	smov.u32 s1;
	s11 =	smov.u32 s8  }
.LBB2_29:
0x152: {  	p0 =	sne.s32 @!p4 s10, $0x1  }
0x153: {  	p3 =	por !p2, p1;
	p2 =	por p0, p4  }
0x154: {  	[tilespmem:$0x1E280] =	vst @!p2 v14;
	s10 =	simm.s32 @!p2 $0x10;
	s12 =	simm.s32 @!p2 $0x1E280;
	s13 =	simm.s32 @!p2 $0x1DA00  }
0x155: {  	[hbm4b:s7+s10] =	stream.indirect.scatter @!p2 [tilespmem:s13], [sflag:$0x4], $0x80, s12, s10, $0xb8;
	[tilespmem:$0x1E400] =	vst v63  }
0x156: {  	s10 =	smov.u32 s8  }
0x157: {  	p0 =	por !p0, p4;
	s12 =	smov.u32 s11;
	s10 =	simm.s32 @p3 $0x0  }
0x158: {  	s12 =	simm.s32 @p3 $0x0;
	s10 =	smov.u32 @p1 s8;
	s8 =	smov.u32 s1  }
0x159: {  	s12 =	smov.u32 @p1 s11;
	s11 =	smov.u32 s2;
	s8 =	simm.s32 @p0 $0x1  }
0x15a: {  	s13 =	simm.s32 @!p2 $0x1;
	s11 =	simm.s32 @p0 $0x1;
	s8 =	smov.u32 @p4 s1  }
0x15b: {  	[smem:$0x2] =	sst @!p2 s13;
	s11 =	smov.u32 @p4 s2;
	s1 =	smov.u32 s8  }
0x15c: {  	s8 =	smov.u32 s10;
	s2 =	smov.u32 s11;
	s11 =	smov.u32 s12  }
.LBB2_30:
0x15d: {  	s4 =	sadd.s32 $0xFFFFFFFF, s4  }
0x15e: {  	p0 =	sne.s32 s4, $0x0  }
.Ltmp23:
0x15f: {  	_ = 	snop;
	(pc) =	sbr.rel @!p0 .LBB2_31-.Ltmp23, $4  }
0x160: {  	_ = 	snop  }
0x161: {  	s5 =	sadd.s32 $0x1, s5  }
0x162: {  	s5 =	sand.u32 $0x1F, s5  }
0x163: {  	s9 =	sadd.s32 $0x1, s9;
	s19 =	sadd.s32 $0x1, s19;
	[smem:$0x0] =	sst s5  }
.LBB2_27:
0x164: {  	v14 =	vld.msk [tilespmem:s19+$0x0 ss:$0x0], $0xffff  }
0x165: {  	s12 =	sand.u32 $0xF, s5;
	s10 =	sshrl.u32 s5, $0x4  }
0x166: {  	p1 =	slt.s32 s11, $0x1;
	s13 =	sor.u32 s10, s12  }
0x167: {  	p2 =	sne.s32 @!p1 s13, $0x0  }
0x168: {  	p0 =	seq.s32 s12, $0x0;
	p3 =	seq.s32 s10, $0x1;
	p4 =	por p2, p1  }
0x169: {  	p0 =	por !p0, !p3;
	s13 =	simm.s32 @!p4 $0x3;
	v16 =	vshll.u32 v14, $0x3  }
0x16a: {  	v15 =	vld [tilespmem:s9+$0x0];
	p5 =	sgt.s32 s2, $0x0;
	p0 =	por !p0, !p0;
	_ =	swait.ge @!p4 [sflag:s13], $0x800;
	v14 =	vand.u32 $0x7F, v14;
	v16 =	vand.u32 $0xFFFFFC00, v16  }
0x16b: {  	p0 =	por !p0, !p5;
	[sflag:s13] =	ssyncset.done @!p4 $0x0;
	v14 =	vor.u32 v14, v16  }
0x16c: {  	p3 =	por !p0, !p0;
	[sflag:s13] =	ssyncadd.s32 @!p4 $0xFFFFF800;
	s13 =	simm.s32 @!p4 $0x0;
	v16 =	vadd.s32 v4, v14  }
0x16d: {  	[smem:$0x1] =	sst @!p4 s13;
	s13 =	simm.s32 @p3 $0x4  }
0x16e: {  	_ =	swait.ge @p3 [sflag:s13], $0x800  }
0x16f: {  	[sflag:s13] =	ssyncset.done @p3 $0x0  }
0x170: {  	s30 =	sshll.u32 s5, $0x7;
	[sflag:s13] =	ssyncadd.s32 @p3 $0xFFFFF800  }
0x171: {  	v17 =	vor.u32 s30, v1;
	v16 =	vld.idx.msk [tilespmem:v16+s28+$0x0], $0xffff  }
0x172: {  	v18 =	vadd.s32 v5, v14;
	_ =	sdelay $0x3  }
0x173: {  	[tilespmem:v17+s23+$0x0] =	vst.idx.msk $0xffff, v16  }
0x174: {  	v59 =	vor.u32 s30, v6;
	v16 =	vld.idx.msk [tilespmem:v18+s28+$0x0], $0xffff  }
0x175: {  	v60 =	vadd.s32 v7, v14;
	_ =	sdelay $0x3  }
0x176: {  	[tilespmem:v59+s23+$0x0] =	vst.idx.msk $0xffff, v16  }
0x177: {  	v61 =	vor.u32 s30, v8;
	v16 =	vld.idx.msk [tilespmem:v60+s28+$0x0], $0xffff  }
0x178: {  	v14 =	vadd.s32 v9, v14;
	_ =	sdelay $0x3  }
0x179: {  	[tilespmem:v61+s23+$0x0] =	vst.idx.msk $0xffff, v16  }
0x17a: {  	v62 =	vor.u32 s30, v10;
	v14 =	vld.idx.msk [tilespmem:v14+s28+$0x0], $0xffff;
	_ =	sdelay $0x4  }
0x17b: {  	[tilespmem:v62+s23+$0x0] =	vst.idx.msk $0xffff, v14  }
0x17c: {  	p4 =	sne.s32 s12, $0xF;
	v14 =	vld [tilespmem:$0x1E300]  }
0x17d: {  	p5 =	sne.s32 @!p4 s10, $0x0  }
0x17e: {  	p0 =	por p4, p5  }
.Ltmp24:
0x17f: {  	v63 =	vmov s12;
	v15 =	vbroadcast v15, $0x0;
	(pc) =	sbr.rel @p0 .LBB2_29-.Ltmp24, $4  }
0x180: {  	vm0 =	veq.s32 v63, v1  }
0x181: {  	p6 =	seq.s32 s12, $0xF;
	v14 =	vsel vm0, v15, v14  }
0x182: {  	s13 =	simm.s32 @p3 $0x0;
	v15 =	vpsel p6, v3, v14  }
0x183: {  	s1 =	simm.s32 @p3 $0x0;
	s2 =	simm.s32 @p3 $0x0;
	[smem:$0x2] =	sst @p3 s13;
	[tilespmem:$0x1E300] =	vst v15  }
.Ltmp25:
0x184: {  	(pc) =	sbr.rel .LBB2_30-.Ltmp25, $4  }
0x185: {  	_ = 	snop  }
0x186: {  	[tilespmem:$0x1E200] =	vst v14;
	s8 =	simm.s32 $0x1  }
0x187: {  	[hbm4b:s7+s24] =	stream.indirect.scatter [tilespmem:s23], [sflag:$0x3], $0x80, s25, s24, $0xb8;
	[tilespmem:$0x1E400] =	vst v63  }
0x188: {  	s11 =	simm.s32 $0x1;
	[smem:$0x1] =	sst s8  }
.LBB2_31:
0x189: {  	p0 =	seq.s32 s3, $0x800  }
.Ltmp26:
0x18a: {  	_ = 	snop;
	(pc) =	sbr.rel @!p0 .LBB2_32-.Ltmp26, $1  }
0x18b: {  	_ =	sdelay $0x3  }
.Ltmp27:
0x18c: {  	(pc) =	sbr.rel .LBB2_23-.Ltmp27, $2  }
0x18d: {  	_ =	sdelay $0x2  }
0x18e: {  	s18 =	sadd.s32 s18, s3  }
.LBB2_34:
0x18f: {  	_ =	sfence.sel $0x180000  }
0x190: {  	[bflag:$0x0] =	sbarrier.arrive $0xFFFF  }
0x191: {  	_ =	strace $0x90000047  }
0x192: {  	s0 =	stileid.u32;
	[bflag:$0x2] =	sbarrier.arrive $0xFFFF  }
0x193: {  	p0 =	sne.s32 s0, $0x0;
	s0 =	rddreg [dreg:$0x4]  }
0x194: {  	s0 =	sadd.s32 @!p0 $0x100000, s0  }
0x195: {  	[sflag:s0] =	ssyncadd.tile.s32 @!p0 $0x1;
	_ =	shalt  }
.Lfunc_end2:
_tile_overlayer_lowered:
.L_overlay_start_2:
0x196: {  	(tag) =	ssettag $0x2  }
0x197: {  	s0 =	rddreg [dreg:$0x0];
	s2 =	stileid.u32  }
0x198: {  	s1 =	rddreg [dreg:$0x1];
	p0 =	sne.s32 s2, $0x0  }
0x199: {  	s3 =	rddreg [dreg:$0x2];
	[bflag:$0x3] =	sbarrier.arrive $0xFFFF;
	s2 =	simm.s32 @!p0 $0x1C05  }
0x19a: {  	[timem:s3], [sflag:s2] =	dma.local @!p0 [hbm:s0], s1  }
0x19b: {  	s0 =	simm.s32 @!p0 $0x5  }
0x19c: {  	_ =	swait.ge @!p0 [sflag:s0], s1  }
0x19d: {  	s1 =	ssub.s32 @!p0 $0x0, s1;
	[sflag:s0] =	ssyncset.done @!p0 $0x0  }
0x19e: {  	[sflag:s0] =	ssyncadd.s32 @!p0 s1  }
0x19f: {  	[bflag:$0x3] =	sbarrier.arrive $0xFFFF  }
0x1a0: {  	_ =	shalt  }

</sc_bundles>
